<compile_context>
chip_gen: v7x
topology: tpu7x:2x2x1
jax: 0.10.2.dev20260603
libtpu: 0.0.44.dev20260713+nightly
codegen_flags: <defaults>
</compile_context>

<pallas_src>
import jax
import jax.numpy as jnp
import numpy as np
from jax import lax
from jax.experimental import pallas as pl
from jax.experimental.pallas import tpu as pltpu
from jax.experimental.pallas import tpu_sc as plsc

_B, _N, _D, _NK, _OBS = 32, 16384, 16, 8, 8
_NPM = _N // _NK
_PPR = 128 // _D
_VR = _N // _PPR
_VRK = _NPM // _PPR

_NC, _NS = 2, 16
_NW = _NC * _NS
_ROWS_PER_W = _B * _N // _NW
_SUB = 128
_CH = 2048
_N_SUB = _CH // _SUB
_N_CH = _ROWS_PER_W // _CH


def _sc_gather_body(table_hbm, idx_hbm, out_hbm, idx_v, rows_v, sem):
    wid = lax.axis_index("s") * _NC + lax.axis_index("c")
    base = wid * _ROWS_PER_W
    pltpu.sync_copy(idx_hbm.at[pl.ds(wid * (_ROWS_PER_W // _SUB), _ROWS_PER_W // _SUB)], idx_v)

    @pl.loop(0, _N_CH)
    def _chunk(c):
        descs = []
        for j in range(_N_SUB):
            d = pltpu.async_copy(
                table_hbm.at[idx_v.at[c * _N_SUB + j]],
                rows_v.at[pl.ds(j * _SUB, _SUB)],
                sem,
            )
            descs.append(d)
        for d in descs:
            d.wait()
        pltpu.sync_copy(rows_v, out_hbm.at[pl.ds(base + c * _CH, _CH)])


def _sc_gather(table, idx2d):
    mesh = plsc.VectorSubcoreMesh(core_axis_name="c", subcore_axis_name="s")
    return pl.kernel(
        _sc_gather_body,
        out_type=jax.ShapeDtypeStruct((_B * _N, _D), jnp.float32),
        mesh=mesh,
        scratch_types=[
            pltpu.VMEM((_ROWS_PER_W // _SUB, _SUB), jnp.int32),
            pltpu.VMEM((_CH, _D), jnp.float32),
            pltpu.SemaphoreType.DMA,
        ],
        compiler_params=pltpu.CompilerParams(use_tc_tiling_on_sc=False),
    )(table, idx2d)


_LOG_NPM = float(np.log(_NPM))


def _tc_body(xs_ref, eps_ref, ybig_ref, tot_ref, Abig_ref, Hbig_ref,
             xnew_ref, lw_ref):
    b = pl.program_id(0)
    y_row = ybig_ref[pl.ds(b, 1), :]
    ii = lax.broadcasted_iota(jnp.int32, (_PPR * _OBS, _PPR), 0)
    jj = lax.broadcasted_iota(jnp.int32, (_PPR * _OBS, _PPR), 1)
    summ = (ii // _OBS == jj).astype(jnp.float32)
    nlws = []
    for k in range(_NK):
        sl = pl.ds(k * _VRK, _VRK)
        xk = xs_ref[0, sl, :]
        xnk = jnp.dot(xk, Abig_ref[k], preferred_element_type=jnp.float32)
        xnk = xnk + eps_ref[0, sl, :]
        xnew_ref[0, sl, :] = xnk
        predk = jnp.dot(xnk, Hbig_ref[...],
                        preferred_element_type=jnp.float32)
        diff = y_row - predk
        sq = jnp.dot(diff * diff, summ, preferred_element_type=jnp.float32,
                     precision=lax.Precision.HIGHEST)
        nlwk = -0.5 * sq - _LOG_NPM + tot_ref[pl.ds(b, 1), pl.ds(k, 1)]
        nlws.append(nlwk)
    nlw = jnp.concatenate(nlws, axis=0)
    m = jnp.max(nlw)
    lse = m + jnp.log(jnp.sum(jnp.exp(nlw - m)))
    for k in range(_NK):
        lw_ref[0, pl.ds(k * _VRK, _VRK), :] = nlws[k] - lse


def _tc_post(xs_v, eps_v, ybig, tot, Abig, Hbig):
    return pl.pallas_call(
        _tc_body,
        grid=(_B,),
        in_specs=[
            pl.BlockSpec((1, _VR, 128), lambda b: (b, 0, 0)),
            pl.BlockSpec((1, _VR, 128), lambda b: (b, 0, 0)),
            pl.BlockSpec((_B, _PPR * _OBS), lambda b: (0, 0)),
            pl.BlockSpec((_B, _NK), lambda b: (0, 0)),
            pl.BlockSpec((_NK, 128, 128), lambda b: (0, 0, 0)),
            pl.BlockSpec((128, _PPR * _OBS), lambda b: (0, 0)),
        ],
        out_specs=[
            pl.BlockSpec((1, _VR, 128), lambda b: (b, 0, 0)),
            pl.BlockSpec((1, _VR, _PPR), lambda b: (b, 0, 0)),
        ],
        out_shape=[
            jax.ShapeDtypeStruct((_B, _VR, 128), jnp.float32),
            jax.ShapeDtypeStruct((_B, _VR, _PPR), jnp.float32),
        ],
    )(xs_v, eps_v, ybig, tot, Abig, Hbig)


def _resample_indices(x_t, log_weights, u, W_reg, log_Pi):
    true_w = log_weights - jax.scipy.special.logsumexp(log_weights, axis=-1, keepdims=True)
    base = jnp.repeat(log_Pi, _NPM, axis=0)
    regime_probs = jax.nn.log_softmax(
        jnp.einsum('bnd,dk->bnk', x_t, W_reg) + base[None], axis=-1)
    adj = regime_probs + true_w[:, :, None]
    tot = jax.scipy.special.logsumexp(adj, axis=1)
    rrw = adj - tot[:, None, :]
    w = jnp.exp(rrw)
    cdf = jnp.cumsum(w, axis=1)
    cp = cdf * np.float32(_NPM)
    m = jnp.floor(cp)
    mi = m.astype(jnp.int32)
    posm = m + u[:, None, :]
    C = jnp.where(mi >= _NPM, _NPM, mi + (posm <= cp).astype(jnp.int32))
    C = jnp.clip(C, 0, _NPM)
    Ct = jnp.swapaxes(C, 1, 2).reshape(_B * _NK, _N)
    hist = jax.vmap(lambda c: jnp.zeros(_NPM + 1, jnp.int32).at[c].add(1))(Ct)
    idx = jnp.cumsum(hist, axis=-1)[:, :_NPM]
    idx = jnp.clip(idx, 0, _N - 1)
    return idx, tot


def kernel(x_t, log_weights, y, u, eps, W_reg, log_Pi, A, H):
    idx, tot = _resample_indices(x_t, log_weights, u, W_reg, log_Pi)
    flat_idx = (idx.reshape(_B, _N).astype(jnp.int32)
                + (jnp.arange(_B, dtype=jnp.int32) * _N)[:, None]).reshape(-1)
    idx2d = flat_idx.reshape(_B * _N // _SUB, _SUB)
    xs_flat = _sc_gather(x_t.reshape(_B * _N, _D), idx2d)
    xs_v = xs_flat.reshape(_B, _VR, 128)
    eps_v = eps.reshape(_B, _VR, 128)
    ybig = jnp.tile(y, (1, _PPR))
    Abig = jnp.kron(jnp.eye(_PPR, dtype=jnp.float32), A)
    Hbig = jnp.kron(jnp.eye(_PPR, dtype=jnp.float32), H.T)
    x_new_v, lw_v = _tc_post(xs_v, eps_v, ybig, tot, Abig, Hbig)
    return x_new_v.reshape(_B, _N, _D), lw_v.reshape(_B, _N)

# --- scband reference (transcript-rebuilt; emitter-appended) ---
"""Pipeline reference for scband-imm-particle-filter-42391327211992 (READ-ONLY COPY).

The authoritative reference and input builder live on the scoring server;
editing this copy changes nothing except your own understanding.
"""

import jax, jax.numpy as jnp
import numpy as np

B = 32; N = 16384; D = 16; NK = 8; NPM = N // NK; OBS = 8

scale_grad = jax.custom_vjp(lambda x: x)
def _sg_fwd(x):
    return x, None
def _sg_bwd(res, g):
    return (jnp.clip(g, -10.0, 10.0),)
scale_grad.defvjp(_sg_fwd, _sg_bwd)

def _normalise_log(lw):
    return lw - jax.scipy.special.logsumexp(lw, axis=-1, keepdims=True)

def setup_inputs(seed: int = 0) -> dict:
    key = jax.random.key(seed)
    ks = jax.random.split(key, 9)
    return {
        "x_t": jax.random.normal(ks[0], (B, N, D), jnp.float32),
        "log_weights": jax.random.normal(ks[1], (B, N), jnp.float32),
        "y": jax.random.normal(ks[2], (B, OBS), jnp.float32),
        "u": jax.random.uniform(ks[3], (B, NK), jnp.float32),
        "eps": 0.1 * jax.random.normal(ks[4], (B, N, D), jnp.float32),
        "W_reg": 0.1 * jax.random.normal(ks[5], (D, NK), jnp.float32),
        "log_Pi": jax.nn.log_softmax(jax.random.normal(ks[6], (NK, NK), jnp.float32), axis=-1),
        "A": jnp.eye(D, dtype=jnp.float32)[None].repeat(NK, 0) + 0.01 * jax.random.normal(ks[7], (NK, D, D), jnp.float32),
        "H": 0.3 * jax.random.normal(ks[8], (OBS, D), jnp.float32),
    }

def reference(x_t, log_weights, y, u, eps, W_reg, log_Pi, A, H):
    # one advance_one() step of the IMM particle filter (IMMtype='new')
    true_w = _normalise_log(log_weights)
    model_of = jnp.arange(N) // NPM
    base = log_Pi[model_of]                                         # gather: per-particle regime row
    regime_probs = jax.nn.log_softmax(jnp.einsum('bnd,dk->bnk', x_t, W_reg) + base[None], axis=-1)
    adj = scale_grad(regime_probs + true_w[:, :, None])
    tot = jax.scipy.special.logsumexp(adj, axis=1)                  # (B, NK)
    rrw = adj - tot[:, None, :]                                     # regime resampling log-weights
    # systematic resampling per model (resampler sees detached inputs)
    w = jnp.exp(jax.lax.stop_gradient(rrw))
    cdf = jnp.cumsum(w, axis=1)                                     # (B, N, NK)
    pos = (jnp.arange(NPM, dtype=jnp.float32)[None, :, None] + u[:, None, :]) / NPM
    idx = jax.vmap(lambda c, p: jax.vmap(lambda ck, pk: jnp.searchsorted(ck, pk), in_axes=(1, 1), out_axes=0)(c, p))(cdf, pos)
    idx = jnp.clip(idx, 0, N - 1).reshape(B, N)                     # (B, N) model-major
    xs = jnp.take_along_axis(jax.lax.stop_gradient(x_t), idx[:, :, None], axis=1)
    # M_t_proposal: per-model linear dynamics + process noise
    xs_r = xs.reshape(B, NK, NPM, D)
    x_new = jnp.einsum('bknd,kde->bkne', xs_r, A) + eps.reshape(B, NK, NPM, D)
    x_new = x_new.reshape(B, N, D)
    # log_f_t: Gaussian observation likelihood
    pred = jnp.einsum('bnd,od->bno', x_new, H)
    log_f = -0.5 * jnp.sum((y[:, None, :] - pred) ** 2, axis=-1)    # (B, N)
    tot_rep = jnp.repeat(jax.lax.stop_gradient(tot), NPM, axis=1)   # 'new' IMM type: detached tot
    new_log_w = log_f - np.log(NPM) + tot_rep
    return x_new, _normalise_log(new_log_w)

if __name__ == "__main__":
    import jax
    _d = setup_inputs()
    print(jax.jit(kernel)(*tuple(_d.values())))

</pallas_src>

<mosaic_0001>
#map = affine_map<(d0, d1) -> (0, 0)>
module attributes {stable_mosaic.version = 14 : i64} {
  func.func @_sc_gather_body(%arg0: i32, %arg1: i32, %arg2: memref<524288x16xf32, #tpu.memory_space<hbm>>, %arg3: memref<4096x128xi32, #tpu.memory_space<hbm>>, %arg4: memref<524288x16xf32, #tpu.memory_space<hbm>>, %arg5: memref<128x128xi32, #tpu.memory_space<vmem>>, %arg6: memref<2048x16xf32, #tpu.memory_space<vmem>>, %arg7: memref<!tpu.dma_semaphore, #tpu.memory_space<semaphore_mem>>) attributes {dimension_semantics = [#tpu.dimension_semantics<core_parallel>, #tpu.dimension_semantics<subcore_parallel>], iteration_bounds = array<i64: 2, 16>, scalar_prefetch = 0 : i64, scratch_operands = 3 : i64, tpu.core_type = #tpu.core_type<sc_vector_subcore>, window_params = [{transform_indices = #map}, {transform_indices = #map}, {transform_indices = #map}]} {
    %mul3A = arith.constant 2 : i32
    %mul3A_0 = arith.muli %arg1, %mul3A : i32
    %add3A = arith.addi %mul3A_0, %arg0 : i32
    %mul3A_1 = arith.constant 16384 : i32
    %mul3A_2 = arith.muli %add3A, %mul3A_1 : i32
    %mul3A_3 = arith.constant 128 : i32
    %mul3A_4 = arith.muli %add3A, %mul3A_3 : i32
    "tpu.region"() ({
      %run_scoped3A = tpu.sem_alloc : memref<!tpu.dma_semaphore, #tpu.memory_space<semaphore_mem>>
      %dma_start3A = arith.constant 0 : i32
      %dma_start3A_9 = tpu.memref_slice %arg3[%mul3A_4, %dma_start3A] : memref<4096x128xi32, #tpu.memory_space<hbm>> -> memref<128x128xi32, #tpu.memory_space<hbm>>
      %dma_start3A_10 = arith.constant 0 : i32
      %dma_start3A_11 = tpu.memref_slice %arg3[%mul3A_4, %dma_start3A_10] : memref<4096x128xi32, #tpu.memory_space<hbm>> -> memref<128x128xi32, #tpu.memory_space<hbm>>
      tpu.enqueue_dma source(%dma_start3A_11 : memref<128x128xi32, #tpu.memory_space<hbm>>) target(%arg5 : memref<128x128xi32, #tpu.memory_space<vmem>>) target_semaphore(%run_scoped3A : memref<!tpu.dma_semaphore, #tpu.memory_space<semaphore_mem>>)
      %dma_wait3A = arith.constant 0 : i32
      %dma_wait3A_12 = tpu.memref_slice %arg3[%mul3A_4, %dma_wait3A] : memref<4096x128xi32, #tpu.memory_space<hbm>> -> memref<128x128xi32, #tpu.memory_space<hbm>>
      %dma_wait3A_13 = arith.constant 0 : i32
      %dma_wait3A_14 = tpu.memref_slice %arg3[%mul3A_4, %dma_wait3A_13] : memref<4096x128xi32, #tpu.memory_space<hbm>> -> memref<128x128xi32, #tpu.memory_space<hbm>>
      tpu.wait_dma2 semaphore(%run_scoped3A : memref<!tpu.dma_semaphore, #tpu.memory_space<semaphore_mem>>) src(%dma_wait3A_14 : memref<128x128xi32, #tpu.memory_space<hbm>>) dst(%arg5 : memref<128x128xi32, #tpu.memory_space<vmem>>)
      tpu.yield
    }) : () -> ()
    %scan3A = arith.constant 0 : i32
    %scan3A_5 = arith.constant 8 : i32
    %scan3A_6 = arith.addi %scan3A, %scan3A_5 : i32
    %scan3A_7 = arith.constant 1 : i32
    scf.for %scan3A_9 = %scan3A to %scan3A_6 step %scan3A_7  : i32 {
      %mul3A_10 = arith.constant 1 : i32
      %mul3A_11 = arith.muli %scan3A_9, %mul3A_10 : i32
      %add3A_12 = arith.constant 0 : i32
      %add3A_13 = arith.addi %add3A_12, %mul3A_11 : i32
      %mul3A_14 = arith.constant 16 : i32
      %mul3A_15 = arith.muli %add3A_13, %mul3A_14 : i32
      %add3A_16 = arith.constant 0 : i32
      %add3A_17 = arith.addi %mul3A_15, %add3A_16 : i32
      %dma_start3A = arith.constant 0 : i32
      %dma_start3A_18 = arith.constant 0 : i32
      %dma_start3A_19 = tpu.memref_slice %arg6[%dma_start3A, %dma_start3A_18] : memref<2048x16xf32, #tpu.memory_space<vmem>> -> memref<128x16xf32, #tpu.memory_space<vmem>>
      %dma_start3A_20 = arith.constant 0 : i32
      %dma_start3A_21 = tpu.memref_slice %arg5[%add3A_17, %dma_start3A_20] : memref<128x128xi32, #tpu.memory_space<vmem>> -> memref<1x128xi32, #tpu.memory_space<vmem>>
      %dma_start3A_22 = tpu.memref_squeeze %dma_start3A_21 : memref<1x128xi32, #tpu.memory_space<vmem>> -> memref<128xi32, #tpu.memory_space<vmem>>
      %dma_start3A_23 = arith.constant 0 : i32
      %dma_start3A_24 = arith.constant 0 : i32
      %dma_start3A_25 = tpu.memref_slice %arg2[%dma_start3A_23, %dma_start3A_24] : memref<524288x16xf32, #tpu.memory_space<hbm>> -> memref<524288x16xf32, #tpu.memory_space<hbm>>
      tpu.enqueue_indirect_dma source(%dma_start3A_25 : memref<524288x16xf32, #tpu.memory_space<hbm>>) target(%dma_start3A_19 : memref<128x16xf32, #tpu.memory_space<vmem>>) offsets(%dma_start3A_22 : memref<128xi32, #tpu.memory_space<vmem>>) semaphore(%arg7 : memref<!tpu.dma_semaphore, #tpu.memory_space<semaphore_mem>>)
      %mul3A_26 = arith.constant 16 : i32
      %mul3A_27 = arith.muli %add3A_13, %mul3A_26 : i32
      %add3A_28 = arith.constant 1 : i32
      %add3A_29 = arith.addi %mul3A_27, %add3A_28 : i32
      %dma_start3A_30 = arith.constant 128 : i32
      %dma_start3A_31 = arith.constant 0 : i32
      %dma_start3A_32 = tpu.memref_slice %arg6[%dma_start3A_30, %dma_start3A_31] : memref<2048x16xf32, #tpu.memory_space<vmem>> -> memref<128x16xf32, #tpu.memory_space<vmem>>
      %dma_start3A_33 = arith.constant 0 : i32
      %dma_start3A_34 = tpu.memref_slice %arg5[%add3A_29, %dma_start3A_33] : memref<128x128xi32, #tpu.memory_space<vmem>> -> memref<1x128xi32, #tpu.memory_space<vmem>>
      %dma_start3A_35 = tpu.memref_squeeze %dma_start3A_34 : memref<1x128xi32, #tpu.memory_space<vmem>> -> memref<128xi32, #tpu.memory_space<vmem>>
      %dma_start3A_36 = arith.constant 0 : i32
      %dma_start3A_37 = arith.constant 0 : i32
      %dma_start3A_38 = tpu.memref_slice %arg2[%dma_start3A_36, %dma_start3A_37] : memref<524288x16xf32, #tpu.memory_space<hbm>> -> memref<524288x16xf32, #tpu.memory_space<hbm>>
      tpu.enqueue_indirect_dma source(%dma_start3A_38 : memref<524288x16xf32, #tpu.memory_space<hbm>>) target(%dma_start3A_32 : memref<128x16xf32, #tpu.memory_space<vmem>>) offsets(%dma_start3A_35 : memref<128xi32, #tpu.memory_space<vmem>>) semaphore(%arg7 : memref<!tpu.dma_semaphore, #tpu.memory_space<semaphore_mem>>)
      %mul3A_39 = arith.constant 16 : i32
      %mul3A_40 = arith.muli %add3A_13, %mul3A_39 : i32
      %add3A_41 = arith.constant 2 : i32
      %add3A_42 = arith.addi %mul3A_40, %add3A_41 : i32
      %dma_start3A_43 = arith.constant 256 : i32
      %dma_start3A_44 = arith.constant 0 : i32
      %dma_start3A_45 = tpu.memref_slice %arg6[%dma_start3A_43, %dma_start3A_44] : memref<2048x16xf32, #tpu.memory_space<vmem>> -> memref<128x16xf32, #tpu.memory_space<vmem>>
      %dma_start3A_46 = arith.constant 0 : i32
      %dma_start3A_47 = tpu.memref_slice %arg5[%add3A_42, %dma_start3A_46] : memref<128x128xi32, #tpu.memory_space<vmem>> -> memref<1x128xi32, #tpu.memory_space<vmem>>
      %dma_start3A_48 = tpu.memref_squeeze %dma_start3A_47 : memref<1x128xi32, #tpu.memory_space<vmem>> -> memref<128xi32, #tpu.memory_space<vmem>>
      %dma_start3A_49 = arith.constant 0 : i32
      %dma_start3A_50 = arith.constant 0 : i32
      %dma_start3A_51 = tpu.memref_slice %arg2[%dma_start3A_49, %dma_start3A_50] : memref<524288x16xf32, #tpu.memory_space<hbm>> -> memref<524288x16xf32, #tpu.memory_space<hbm>>
      tpu.enqueue_indirect_dma source(%dma_start3A_51 : memref<524288x16xf32, #tpu.memory_space<hbm>>) target(%dma_start3A_45 : memref<128x16xf32, #tpu.memory_space<vmem>>) offsets(%dma_start3A_48 : memref<128xi32, #tpu.memory_space<vmem>>) semaphore(%arg7 : memref<!tpu.dma_semaphore, #tpu.memory_space<semaphore_mem>>)
      %mul3A_52 = arith.constant 16 : i32
      %mul3A_53 = arith.muli %add3A_13, %mul3A_52 : i32
      %add3A_54 = arith.constant 3 : i32
      %add3A_55 = arith.addi %mul3A_53, %add3A_54 : i32
      %dma_start3A_56 = arith.constant 384 : i32
      %dma_start3A_57 = arith.constant 0 : i32
      %dma_start3A_58 = tpu.memref_slice %arg6[%dma_start3A_56, %dma_start3A_57] : memref<2048x16xf32, #tpu.memory_space<vmem>> -> memref<128x16xf32, #tpu.memory_space<vmem>>
      %dma_start3A_59 = arith.constant 0 : i32
      %dma_start3A_60 = tpu.memref_slice %arg5[%add3A_55, %dma_start3A_59] : memref<128x128xi32, #tpu.memory_space<vmem>> -> memref<1x128xi32, #tpu.memory_space<vmem>>
      %dma_start3A_61 = tpu.memref_squeeze %dma_start3A_60 : memref<1x128xi32, #tpu.memory_space<vmem>> -> memref<128xi32, #tpu.memory_space<vmem>>
      %dma_start3A_62 = arith.constant 0 : i32
      %dma_start3A_63 = arith.constant 0 : i32
      %dma_start3A_64 = tpu.memref_slice %arg2[%dma_start3A_62, %dma_start3A_63] : memref<524288x16xf32, #tpu.memory_space<hbm>> -> memref<524288x16xf32, #tpu.memory_space<hbm>>
      tpu.enqueue_indirect_dma source(%dma_start3A_64 : memref<524288x16xf32, #tpu.memory_space<hbm>>) target(%dma_start3A_58 : memref<128x16xf32, #tpu.memory_space<vmem>>) offsets(%dma_start3A_61 : memref<128xi32, #tpu.memory_space<vmem>>) semaphore(%arg7 : memref<!tpu.dma_semaphore, #tpu.memory_space<semaphore_mem>>)
      %mul3A_65 = arith.constant 16 : i32
      %mul3A_66 = arith.muli %add3A_13, %mul3A_65 : i32
      %add3A_67 = arith.constant 4 : i32
      %add3A_68 = arith.addi %mul3A_66, %add3A_67 : i32
      %dma_start3A_69 = arith.constant 512 : i32
      %dma_start3A_70 = arith.constant 0 : i32
      %dma_start3A_71 = tpu.memref_slice %arg6[%dma_start3A_69, %dma_start3A_70] : memref<2048x16xf32, #tpu.memory_space<vmem>> -> memref<128x16xf32, #tpu.memory_space<vmem>>
      %dma_start3A_72 = arith.constant 0 : i32
      %dma_start3A_73 = tpu.memref_slice %arg5[%add3A_68, %dma_start3A_72] : memref<128x128xi32, #tpu.memory_space<vmem>> -> memref<1x128xi32, #tpu.memory_space<vmem>>
      %dma_start3A_74 = tpu.memref_squeeze %dma_start3A_73 : memref<1x128xi32, #tpu.memory_space<vmem>> -> memref<128xi32, #tpu.memory_space<vmem>>
      %dma_start3A_75 = arith.constant 0 : i32
      %dma_start3A_76 = arith.constant 0 : i32
      %dma_start3A_77 = tpu.memref_slice %arg2[%dma_start3A_75, %dma_start3A_76] : memref<524288x16xf32, #tpu.memory_space<hbm>> -> memref<524288x16xf32, #tpu.memory_space<hbm>>
      tpu.enqueue_indirect_dma source(%dma_start3A_77 : memref<524288x16xf32, #tpu.memory_space<hbm>>) target(%dma_start3A_71 : memref<128x16xf32, #tpu.memory_space<vmem>>) offsets(%dma_start3A_74 : memref<128xi32, #tpu.memory_space<vmem>>) semaphore(%arg7 : memref<!tpu.dma_semaphore, #tpu.memory_space<semaphore_mem>>)
      %mul3A_78 = arith.constant 16 : i32
      %mul3A_79 = arith.muli %add3A_13, %mul3A_78 : i32
      %add3A_80 = arith.constant 5 : i32
      %add3A_81 = arith.addi %mul3A_79, %add3A_80 : i32
      %dma_start3A_82 = arith.constant 640 : i32
      %dma_start3A_83 = arith.constant 0 : i32
      %dma_start3A_84 = tpu.memref_slice %arg6[%dma_start3A_82, %dma_start3A_83] : memref<2048x16xf32, #tpu.memory_space<vmem>> -> memref<128x16xf32, #tpu.memory_space<vmem>>
      %dma_start3A_85 = arith.constant 0 : i32
      %dma_start3A_86 = tpu.memref_slice %arg5[%add3A_81, %dma_start3A_85] : memref<128x128xi32, #tpu.memory_space<vmem>> -> memref<1x128xi32, #tpu.memory_space<vmem>>
      %dma_start3A_87 = tpu.memref_squeeze %dma_start3A_86 : memref<1x128xi32, #tpu.memory_space<vmem>> -> memref<128xi32, #tpu.memory_space<vmem>>
      %dma_start3A_88 = arith.constant 0 : i32
      %dma_start3A_89 = arith.constant 0 : i32
      %dma_start3A_90 = tpu.memref_slice %arg2[%dma_start3A_88, %dma_start3A_89] : memref<524288x16xf32, #tpu.memory_space<hbm>> -> memref<524288x16xf32, #tpu.memory_space<hbm>>
      tpu.enqueue_indirect_dma source(%dma_start3A_90 : memref<524288x16xf32, #tpu.memory_space<hbm>>) target(%dma_start3A_84 : memref<128x16xf32, #tpu.memory_space<vmem>>) offsets(%dma_start3A_87 : memref<128xi32, #tpu.memory_space<vmem>>) semaphore(%arg7 : memref<!tpu.dma_semaphore, #tpu.memory_space<semaphore_mem>>)
      %mul3A_91 = arith.constant 16 : i32
      %mul3A_92 = arith.muli %add3A_13, %mul3A_91 : i32
      %add3A_93 = arith.constant 6 : i32
      %add3A_94 = arith.addi %mul3A_92, %add3A_93 : i32
      %dma_start3A_95 = arith.constant 768 : i32
      %dma_start3A_96 = arith.constant 0 : i32
      %dma_start3A_97 = tpu.memref_slice %arg6[%dma_start3A_95, %dma_start3A_96] : memref<2048x16xf32, #tpu.memory_space<vmem>> -> memref<128x16xf32, #tpu.memory_space<vmem>>
      %dma_start3A_98 = arith.constant 0 : i32
      %dma_start3A_99 = tpu.memref_slice %arg5[%add3A_94, %dma_start3A_98] : memref<128x128xi32, #tpu.memory_space<vmem>> -> memref<1x128xi32, #tpu.memory_space<vmem>>
      %dma_start3A_100 = tpu.memref_squeeze %dma_start3A_99 : memref<1x128xi32, #tpu.memory_space<vmem>> -> memref<128xi32, #tpu.memory_space<vmem>>
      %dma_start3A_101 = arith.constant 0 : i32
      %dma_start3A_102 = arith.constant 0 : i32
      %dma_start3A_103 = tpu.memref_slice %arg2[%dma_start3A_101, %dma_start3A_102] : memref<524288x16xf32, #tpu.memory_space<hbm>> -> memref<524288x16xf32, #tpu.memory_space<hbm>>
      tpu.enqueue_indirect_dma source(%dma_start3A_103 : memref<524288x16xf32, #tpu.memory_space<hbm>>) target(%dma_start3A_97 : memref<128x16xf32, #tpu.memory_space<vmem>>) offsets(%dma_start3A_100 : memref<128xi32, #tpu.memory_space<vmem>>) semaphore(%arg7 : memref<!tpu.dma_semaphore, #tpu.memory_space<semaphore_mem>>)
      %mul3A_104 = arith.constant 16 : i32
      %mul3A_105 = arith.muli %add3A_13, %mul3A_104 : i32
      %add3A_106 = arith.constant 7 : i32
      %add3A_107 = arith.addi %mul3A_105, %add3A_106 : i32
      %dma_start3A_108 = arith.constant 896 : i32
      %dma_start3A_109 = arith.constant 0 : i32
      %dma_start3A_110 = tpu.memref_slice %arg6[%dma_start3A_108, %dma_start3A_109] : memref<2048x16xf32, #tpu.memory_space<vmem>> -> memref<128x16xf32, #tpu.memory_space<vmem>>
      %dma_start3A_111 = arith.constant 0 : i32
      %dma_start3A_112 = tpu.memref_slice %arg5[%add3A_107, %dma_start3A_111] : memref<128x128xi32, #tpu.memory_space<vmem>> -> memref<1x128xi32, #tpu.memory_space<vmem>>
      %dma_start3A_113 = tpu.memref_squeeze %dma_start3A_112 : memref<1x128xi32, #tpu.memory_space<vmem>> -> memref<128xi32, #tpu.memory_space<vmem>>
      %dma_start3A_114 = arith.constant 0 : i32
      %dma_start3A_115 = arith.constant 0 : i32
      %dma_start3A_116 = tpu.memref_slice %arg2[%dma_start3A_114, %dma_start3A_115] : memref<524288x16xf32, #tpu.memory_space<hbm>> -> memref<524288x16xf32, #tpu.memory_space<hbm>>
      tpu.enqueue_indirect_dma source(%dma_start3A_116 : memref<524288x16xf32, #tpu.memory_space<hbm>>) target(%dma_start3A_110 : memref<128x16xf32, #tpu.memory_space<vmem>>) offsets(%dma_start3A_113 : memref<128xi32, #tpu.memory_space<vmem>>) semaphore(%arg7 : memref<!tpu.dma_semaphore, #tpu.memory_space<semaphore_mem>>)
      %mul3A_117 = arith.constant 16 : i32
      %mul3A_118 = arith.muli %add3A_13, %mul3A_117 : i32
      %add3A_119 = arith.constant 8 : i32
      %add3A_120 = arith.addi %mul3A_118, %add3A_119 : i32
      %dma_start3A_121 = arith.constant 1024 : i32
      %dma_start3A_122 = arith.constant 0 : i32
      %dma_start3A_123 = tpu.memref_slice %arg6[%dma_start3A_121, %dma_start3A_122] : memref<2048x16xf32, #tpu.memory_space<vmem>> -> memref<128x16xf32, #tpu.memory_space<vmem>>
      %dma_start3A_124 = arith.constant 0 : i32
      %dma_start3A_125 = tpu.memref_slice %arg5[%add3A_120, %dma_start3A_124] : memref<128x128xi32, #tpu.memory_space<vmem>> -> memref<1x128xi32, #tpu.memory_space<vmem>>
      %dma_start3A_126 = tpu.memref_squeeze %dma_start3A_125 : memref<1x128xi32, #tpu.memory_space<vmem>> -> memref<128xi32, #tpu.memory_space<vmem>>
      %dma_start3A_127 = arith.constant 0 : i32
      %dma_start3A_128 = arith.constant 0 : i32
      %dma_start3A_129 = tpu.memref_slice %arg2[%dma_start3A_127, %dma_start3A_128] : memref<524288x16xf32, #tpu.memory_space<hbm>> -> memref<524288x16xf32, #tpu.memory_space<hbm>>
      tpu.enqueue_indirect_dma source(%dma_start3A_129 : memref<524288x16xf32, #tpu.memory_space<hbm>>) target(%dma_start3A_123 : memref<128x16xf32, #tpu.memory_space<vmem>>) offsets(%dma_start3A_126 : memref<128xi32, #tpu.memory_space<vmem>>) semaphore(%arg7 : memref<!tpu.dma_semaphore, #tpu.memory_space<semaphore_mem>>)
      %mul3A_130 = arith.constant 16 : i32
      %mul3A_131 = arith.muli %add3A_13, %mul3A_130 : i32
      %add3A_132 = arith.constant 9 : i32
      %add3A_133 = arith.addi %mul3A_131, %add3A_132 : i32
      %dma_start3A_134 = arith.constant 1152 : i32
      %dma_start3A_135 = arith.constant 0 : i32
      %dma_start3A_136 = tpu.memref_slice %arg6[%dma_start3A_134, %dma_start3A_135] : memref<2048x16xf32, #tpu.memory_space<vmem>> -> memref<128x16xf32, #tpu.memory_space<vmem>>
      %dma_start3A_137 = arith.constant 0 : i32
      %dma_start3A_138 = tpu.memref_slice %arg5[%add3A_133, %dma_start3A_137] : memref<128x128xi32, #tpu.memory_space<vmem>> -> memref<1x128xi32, #tpu.memory_space<vmem>>
      %dma_start3A_139 = tpu.memref_squeeze %dma_start3A_138 : memref<1x128xi32, #tpu.memory_space<vmem>> -> memref<128xi32, #tpu.memory_space<vmem>>
      %dma_start3A_140 = arith.constant 0 : i32
      %dma_start3A_141 = arith.constant 0 : i32
      %dma_start3A_142 = tpu.memref_slice %arg2[%dma_start3A_140, %dma_start3A_141] : memref<524288x16xf32, #tpu.memory_space<hbm>> -> memref<524288x16xf32, #tpu.memory_space<hbm>>
      tpu.enqueue_indirect_dma source(%dma_start3A_142 : memref<524288x16xf32, #tpu.memory_space<hbm>>) target(%dma_start3A_136 : memref<128x16xf32, #tpu.memory_space<vmem>>) offsets(%dma_start3A_139 : memref<128xi32, #tpu.memory_space<vmem>>) semaphore(%arg7 : memref<!tpu.dma_semaphore, #tpu.memory_space<semaphore_mem>>)
      %mul3A_143 = arith.constant 16 : i32
      %mul3A_144 = arith.muli %add3A_13, %mul3A_143 : i32
      %add3A_145 = arith.constant 10 : i32
      %add3A_146 = arith.addi %mul3A_144, %add3A_145 : i32
      %dma_start3A_147 = arith.constant 1280 : i32
      %dma_start3A_148 = arith.constant 0 : i32
      %dma_start3A_149 = tpu.memref_slice %arg6[%dma_start3A_147, %dma_start3A_148] : memref<2048x16xf32, #tpu.memory_space<vmem>> -> memref<128x16xf32, #tpu.memory_space<vmem>>
      %dma_start3A_150 = arith.constant 0 : i32
      %dma_start3A_151 = tpu.memref_slice %arg5[%add3A_146, %dma_start3A_150] : memref<128x128xi32, #tpu.memory_space<vmem>> -> memref<1x128xi32, #tpu.memory_space<vmem>>
      %dma_start3A_152 = tpu.memref_squeeze %dma_start3A_151 : memref<1x128xi32, #tpu.memory_space<vmem>> -> memref<128xi32, #tpu.memory_space<vmem>>
      %dma_start3A_153 = arith.constant 0 : i32
      %dma_start3A_154 = arith.constant 0 : i32
      %dma_start3A_155 = tpu.memref_slice %arg2[%dma_start3A_153, %dma_start3A_154] : memref<524288x16xf32, #tpu.memory_space<hbm>> -> memref<524288x16xf32, #tpu.memory_space<hbm>>
      tpu.enqueue_indirect_dma source(%dma_start3A_155 : memref<524288x16xf32, #tpu.memory_space<hbm>>) target(%dma_start3A_149 : memref<128x16xf32, #tpu.memory_space<vmem>>) offsets(%dma_start3A_152 : memref<128xi32, #tpu.memory_space<vmem>>) semaphore(%arg7 : memref<!tpu.dma_semaphore, #tpu.memory_space<semaphore_mem>>)
      %mul3A_156 = arith.constant 16 : i32
      %mul3A_157 = arith.muli %add3A_13, %mul3A_156 : i32
      %add3A_158 = arith.constant 11 : i32
      %add3A_159 = arith.addi %mul3A_157, %add3A_158 : i32
      %dma_start3A_160 = arith.constant 1408 : i32
      %dma_start3A_161 = arith.constant 0 : i32
      %dma_start3A_162 = tpu.memref_slice %arg6[%dma_start3A_160, %dma_start3A_161] : memref<2048x16xf32, #tpu.memory_space<vmem>> -> memref<128x16xf32, #tpu.memory_space<vmem>>
      %dma_start3A_163 = arith.constant 0 : i32
      %dma_start3A_164 = tpu.memref_slice %arg5[%add3A_159, %dma_start3A_163] : memref<128x128xi32, #tpu.memory_space<vmem>> -> memref<1x128xi32, #tpu.memory_space<vmem>>
      %dma_start3A_165 = tpu.memref_squeeze %dma_start3A_164 : memref<1x128xi32, #tpu.memory_space<vmem>> -> memref<128xi32, #tpu.memory_space<vmem>>
      %dma_start3A_166 = arith.constant 0 : i32
      %dma_start3A_167 = arith.constant 0 : i32
      %dma_start3A_168 = tpu.memref_slice %arg2[%dma_start3A_166, %dma_start3A_167] : memref<524288x16xf32, #tpu.memory_space<hbm>> -> memref<524288x16xf32, #tpu.memory_space<hbm>>
      tpu.enqueue_indirect_dma source(%dma_start3A_168 : memref<524288x16xf32, #tpu.memory_space<hbm>>) target(%dma_start3A_162 : memref<128x16xf32, #tpu.memory_space<vmem>>) offsets(%dma_start3A_165 : memref<128xi32, #tpu.memory_space<vmem>>) semaphore(%arg7 : memref<!tpu.dma_semaphore, #tpu.memory_space<semaphore_mem>>)
      %mul3A_169 = arith.constant 16 : i32
      %mul3A_170 = arith.muli %add3A_13, %mul3A_169 : i32
      %add3A_171 = arith.constant 12 : i32
      %add3A_172 = arith.addi %mul3A_170, %add3A_171 : i32
      %dma_start3A_173 = arith.constant 1536 : i32
      %dma_start3A_174 = arith.constant 0 : i32
      %dma_start3A_175 = tpu.memref_slice %arg6[%dma_start3A_173, %dma_start3A_174] : memref<2048x16xf32, #tpu.memory_space<vmem>> -> memref<128x16xf32, #tpu.memory_space<vmem>>
      %dma_start3A_176 = arith.constant 0 : i32
      %dma_start3A_177 = tpu.memref_slice %arg5[%add3A_172, %dma_start3A_176] : memref<128x128xi32, #tpu.memory_space<vmem>> -> memref<1x128xi32, #tpu.memory_space<vmem>>
      %dma_start3A_178 = tpu.memref_squeeze %dma_start3A_177 : memref<1x128xi32, #tpu.memory_space<vmem>> -> memref<128xi32, #tpu.memory_space<vmem>>
      %dma_start3A_179 = arith.constant 0 : i32
      %dma_start3A_180 = arith.constant 0 : i32
      %dma_start3A_181 = tpu.memref_slice %arg2[%dma_start3A_179, %dma_start3A_180] : memref<524288x16xf32, #tpu.memory_space<hbm>> -> memref<524288x16xf32, #tpu.memory_space<hbm>>
      tpu.enqueue_indirect_dma source(%dma_start3A_181 : memref<524288x16xf32, #tpu.memory_space<hbm>>) target(%dma_start3A_175 : memref<128x16xf32, #tpu.memory_space<vmem>>) offsets(%dma_start3A_178 : memref<128xi32, #tpu.memory_space<vmem>>) semaphore(%arg7 : memref<!tpu.dma_semaphore, #tpu.memory_space<semaphore_mem>>)
      %mul3A_182 = arith.constant 16 : i32
      %mul3A_183 = arith.muli %add3A_13, %mul3A_182 : i32
      %add3A_184 = arith.constant 13 : i32
      %add3A_185 = arith.addi %mul3A_183, %add3A_184 : i32
      %dma_start3A_186 = arith.constant 1664 : i32
      %dma_start3A_187 = arith.constant 0 : i32
      %dma_start3A_188 = tpu.memref_slice %arg6[%dma_start3A_186, %dma_start3A_187] : memref<2048x16xf32, #tpu.memory_space<vmem>> -> memref<128x16xf32, #tpu.memory_space<vmem>>
      %dma_start3A_189 = arith.constant 0 : i32
      %dma_start3A_190 = tpu.memref_slice %arg5[%add3A_185, %dma_start3A_189] : memref<128x128xi32, #tpu.memory_space<vmem>> -> memref<1x128xi32, #tpu.memory_space<vmem>>
      %dma_start3A_191 = tpu.memref_squeeze %dma_start3A_190 : memref<1x128xi32, #tpu.memory_space<vmem>> -> memref<128xi32, #tpu.memory_space<vmem>>
      %dma_start3A_192 = arith.constant 0 : i32
      %dma_start3A_193 = arith.constant 0 : i32
      %dma_start3A_194 = tpu.memref_slice %arg2[%dma_start3A_192, %dma_start3A_193] : memref<524288x16xf32, #tpu.memory_space<hbm>> -> memref<524288x16xf32, #tpu.memory_space<hbm>>
      tpu.enqueue_indirect_dma source(%dma_start3A_194 : memref<524288x16xf32, #tpu.memory_space<hbm>>) target(%dma_start3A_188 : memref<128x16xf32, #tpu.memory_space<vmem>>) offsets(%dma_start3A_191 : memref<128xi32, #tpu.memory_space<vmem>>) semaphore(%arg7 : memref<!tpu.dma_semaphore, #tpu.memory_space<semaphore_mem>>)
      %mul3A_195 = arith.constant 16 : i32
      %mul3A_196 = arith.muli %add3A_13, %mul3A_195 : i32
      %add3A_197 = arith.constant 14 : i32
      %add3A_198 = arith.addi %mul3A_196, %add3A_197 : i32
      %dma_start3A_199 = arith.constant 1792 : i32
      %dma_start3A_200 = arith.constant 0 : i32
      %dma_start3A_201 = tpu.memref_slice %arg6[%dma_start3A_199, %dma_start3A_200] : memref<2048x16xf32, #tpu.memory_space<vmem>> -> memref<128x16xf32, #tpu.memory_space<vmem>>
      %dma_start3A_202 = arith.constant 0 : i32
      %dma_start3A_203 = tpu.memref_slice %arg5[%add3A_198, %dma_start3A_202] : memref<128x128xi32, #tpu.memory_space<vmem>> -> memref<1x128xi32, #tpu.memory_space<vmem>>
      %dma_start3A_204 = tpu.memref_squeeze %dma_start3A_203 : memref<1x128xi32, #tpu.memory_space<vmem>> -> memref<128xi32, #tpu.memory_space<vmem>>
      %dma_start3A_205 = arith.constant 0 : i32
      %dma_start3A_206 = arith.constant 0 : i32
      %dma_start3A_207 = tpu.memref_slice %arg2[%dma_start3A_205, %dma_start3A_206] : memref<524288x16xf32, #tpu.memory_space<hbm>> -> memref<524288x16xf32, #tpu.memory_space<hbm>>
      tpu.enqueue_indirect_dma source(%dma_start3A_207 : memref<524288x16xf32, #tpu.memory_space<hbm>>) target(%dma_start3A_201 : memref<128x16xf32, #tpu.memory_space<vmem>>) offsets(%dma_start3A_204 : memref<128xi32, #tpu.memory_space<vmem>>) semaphore(%arg7 : memref<!tpu.dma_semaphore, #tpu.memory_space<semaphore_mem>>)
      %mul3A_208 = arith.constant 16 : i32
      %mul3A_209 = arith.muli %add3A_13, %mul3A_208 : i32
      %add3A_210 = arith.constant 15 : i32
      %add3A_211 = arith.addi %mul3A_209, %add3A_210 : i32
      %dma_start3A_212 = arith.constant 1920 : i32
      %dma_start3A_213 = arith.constant 0 : i32
      %dma_start3A_214 = tpu.memref_slice %arg6[%dma_start3A_212, %dma_start3A_213] : memref<2048x16xf32, #tpu.memory_space<vmem>> -> memref<128x16xf32, #tpu.memory_space<vmem>>
      %dma_start3A_215 = arith.constant 0 : i32
      %dma_start3A_216 = tpu.memref_slice %arg5[%add3A_211, %dma_start3A_215] : memref<128x128xi32, #tpu.memory_space<vmem>> -> memref<1x128xi32, #tpu.memory_space<vmem>>
      %dma_start3A_217 = tpu.memref_squeeze %dma_start3A_216 : memref<1x128xi32, #tpu.memory_space<vmem>> -> memref<128xi32, #tpu.memory_space<vmem>>
      %dma_start3A_218 = arith.constant 0 : i32
      %dma_start3A_219 = arith.constant 0 : i32
      %dma_start3A_220 = tpu.memref_slice %arg2[%dma_start3A_218, %dma_start3A_219] : memref<524288x16xf32, #tpu.memory_space<hbm>> -> memref<524288x16xf32, #tpu.memory_space<hbm>>
      tpu.enqueue_indirect_dma source(%dma_start3A_220 : memref<524288x16xf32, #tpu.memory_space<hbm>>) target(%dma_start3A_214 : memref<128x16xf32, #tpu.memory_space<vmem>>) offsets(%dma_start3A_217 : memref<128xi32, #tpu.memory_space<vmem>>) semaphore(%arg7 : memref<!tpu.dma_semaphore, #tpu.memory_space<semaphore_mem>>)
      %dma_wait3A = arith.constant 0 : i32
      %dma_wait3A_221 = arith.constant 0 : i32
      %dma_wait3A_222 = tpu.memref_slice %arg6[%dma_wait3A, %dma_wait3A_221] : memref<2048x16xf32, #tpu.memory_space<vmem>> -> memref<128x16xf32, #tpu.memory_space<vmem>>
      %dma_wait3A_223 = arith.constant 0 : i32
      %dma_wait3A_224 = tpu.memref_slice %arg5[%add3A_17, %dma_wait3A_223] : memref<128x128xi32, #tpu.memory_space<vmem>> -> memref<1x128xi32, #tpu.memory_space<vmem>>
      %dma_wait3A_225 = tpu.memref_squeeze %dma_wait3A_224 : memref<1x128xi32, #tpu.memory_space<vmem>> -> memref<128xi32, #tpu.memory_space<vmem>>
      %dma_wait3A_226 = arith.constant 0 : i32
      %dma_wait3A_227 = arith.constant 0 : i32
      %dma_wait3A_228 = tpu.memref_slice %arg2[%dma_wait3A_226, %dma_wait3A_227] : memref<524288x16xf32, #tpu.memory_space<hbm>> -> memref<524288x16xf32, #tpu.memory_space<hbm>>
      tpu.wait_indirect_dma semaphore(%arg7 : memref<!tpu.dma_semaphore, #tpu.memory_space<semaphore_mem>>) src(%dma_wait3A_228 : memref<524288x16xf32, #tpu.memory_space<hbm>>) dst(%dma_wait3A_222 : memref<128x16xf32, #tpu.memory_space<vmem>>)
      %dma_wait3A_229 = arith.constant 128 : i32
      %dma_wait3A_230 = arith.constant 0 : i32
      %dma_wait3A_231 = tpu.memref_slice %arg6[%dma_wait3A_229, %dma_wait3A_230] : memref<2048x16xf32, #tpu.memory_space<vmem>> -> memref<128x16xf32, #tpu.memory_space<vmem>>
      %dma_wait3A_232 = arith.constant 0 : i32
      %dma_wait3A_233 = tpu.memref_slice %arg5[%add3A_29, %dma_wait3A_232] : memref<128x128xi32, #tpu.memory_space<vmem>> -> memref<1x128xi32, #tpu.memory_space<vmem>>
      %dma_wait3A_234 = tpu.memref_squeeze %dma_wait3A_233 : memref<1x128xi32, #tpu.memory_space<vmem>> -> memref<128xi32, #tpu.memory_space<vmem>>
      %dma_wait3A_235 = arith.constant 0 : i32
      %dma_wait3A_236 = arith.constant 0 : i32
      %dma_wait3A_237 = tpu.memref_slice %arg2[%dma_wait3A_235, %dma_wait3A_236] : memref<524288x16xf32, #tpu.memory_space<hbm>> -> memref<524288x16xf32, #tpu.memory_space<hbm>>
      tpu.wait_indirect_dma semaphore(%arg7 : memref<!tpu.dma_semaphore, #tpu.memory_space<semaphore_mem>>) src(%dma_wait3A_237 : memref<524288x16xf32, #tpu.memory_space<hbm>>) dst(%dma_wait3A_231 : memref<128x16xf32, #tpu.memory_space<vmem>>)
      %dma_wait3A_238 = arith.constant 256 : i32
      %dma_wait3A_239 = arith.constant 0 : i32
      %dma_wait3A_240 = tpu.memref_slice %arg6[%dma_wait3A_238, %dma_wait3A_239] : memref<2048x16xf32, #tpu.memory_space<vmem>> -> memref<128x16xf32, #tpu.memory_space<vmem>>
      %dma_wait3A_241 = arith.constant 0 : i32
      %dma_wait3A_242 = tpu.memref_slice %arg5[%add3A_42, %dma_wait3A_241] : memref<128x128xi32, #tpu.memory_space<vmem>> -> memref<1x128xi32, #tpu.memory_space<vmem>>
      %dma_wait3A_243 = tpu.memref_squeeze %dma_wait3A_242 : memref<1x128xi32, #tpu.memory_space<vmem>> -> memref<128xi32, #tpu.memory_space<vmem>>
      %dma_wait3A_244 = arith.constant 0 : i32
      %dma_wait3A_245 = arith.constant 0 : i32
      %dma_wait3A_246 = tpu.memref_slice %arg2[%dma_wait3A_244, %dma_wait3A_245] : memref<524288x16xf32, #tpu.memory_space<hbm>> -> memref<524288x16xf32, #tpu.memory_space<hbm>>
      tpu.wait_indirect_dma semaphore(%arg7 : memref<!tpu.dma_semaphore, #tpu.memory_space<semaphore_mem>>) src(%dma_wait3A_246 : memref<524288x16xf32, #tpu.memory_space<hbm>>) dst(%dma_wait3A_240 : memref<128x16xf32, #tpu.memory_space<vmem>>)
      %dma_wait3A_247 = arith.constant 384 : i32
      %dma_wait3A_248 = arith.constant 0 : i32
      %dma_wait3A_249 = tpu.memref_slice %arg6[%dma_wait3A_247, %dma_wait3A_248] : memref<2048x16xf32, #tpu.memory_space<vmem>> -> memref<128x16xf32, #tpu.memory_space<vmem>>
      %dma_wait3A_250 = arith.constant 0 : i32
      %dma_wait3A_251 = tpu.memref_slice %arg5[%add3A_55, %dma_wait3A_250] : memref<128x128xi32, #tpu.memory_space<vmem>> -> memref<1x128xi32, #tpu.memory_space<vmem>>
      %dma_wait3A_252 = tpu.memref_squeeze %dma_wait3A_251 : memref<1x128xi32, #tpu.memory_space<vmem>> -> memref<128xi32, #tpu.memory_space<vmem>>
      %dma_wait3A_253 = arith.constant 0 : i32
      %dma_wait3A_254 = arith.constant 0 : i32
      %dma_wait3A_255 = tpu.memref_slice %arg2[%dma_wait3A_253, %dma_wait3A_254] : memref<524288x16xf32, #tpu.memory_space<hbm>> -> memref<524288x16xf32, #tpu.memory_space<hbm>>
      tpu.wait_indirect_dma semaphore(%arg7 : memref<!tpu.dma_semaphore, #tpu.memory_space<semaphore_mem>>) src(%dma_wait3A_255 : memref<524288x16xf32, #tpu.memory_space<hbm>>) dst(%dma_wait3A_249 : memref<128x16xf32, #tpu.memory_space<vmem>>)
      %dma_wait3A_256 = arith.constant 512 : i32
      %dma_wait3A_257 = arith.constant 0 : i32
      %dma_wait3A_258 = tpu.memref_slice %arg6[%dma_wait3A_256, %dma_wait3A_257] : memref<2048x16xf32, #tpu.memory_space<vmem>> -> memref<128x16xf32, #tpu.memory_space<vmem>>
      %dma_wait3A_259 = arith.constant 0 : i32
      %dma_wait3A_260 = tpu.memref_slice %arg5[%add3A_68, %dma_wait3A_259] : memref<128x128xi32, #tpu.memory_space<vmem>> -> memref<1x128xi32, #tpu.memory_space<vmem>>
      %dma_wait3A_261 = tpu.memref_squeeze %dma_wait3A_260 : memref<1x128xi32, #tpu.memory_space<vmem>> -> memref<128xi32, #tpu.memory_space<vmem>>
      %dma_wait3A_262 = arith.constant 0 : i32
      %dma_wait3A_263 = arith.constant 0 : i32
      %dma_wait3A_264 = tpu.memref_slice %arg2[%dma_wait3A_262, %dma_wait3A_263] : memref<524288x16xf32, #tpu.memory_space<hbm>> -> memref<524288x16xf32, #tpu.memory_space<hbm>>
      tpu.wait_indirect_dma semaphore(%arg7 : memref<!tpu.dma_semaphore, #tpu.memory_space<semaphore_mem>>) src(%dma_wait3A_264 : memref<524288x16xf32, #tpu.memory_space<hbm>>) dst(%dma_wait3A_258 : memref<128x16xf32, #tpu.memory_space<vmem>>)
      %dma_wait3A_265 = arith.constant 640 : i32
      %dma_wait3A_266 = arith.constant 0 : i32
      %dma_wait3A_267 = tpu.memref_slice %arg6[%dma_wait3A_265, %dma_wait3A_266] : memref<2048x16xf32, #tpu.memory_space<vmem>> -> memref<128x16xf32, #tpu.memory_space<vmem>>
      %dma_wait3A_268 = arith.constant 0 : i32
      %dma_wait3A_269 = tpu.memref_slice %arg5[%add3A_81, %dma_wait3A_268] : memref<128x128xi32, #tpu.memory_space<vmem>> -> memref<1x128xi32, #tpu.memory_space<vmem>>
      %dma_wait3A_270 = tpu.memref_squeeze %dma_wait3A_269 : memref<1x128xi32, #tpu.memory_space<vmem>> -> memref<128xi32, #tpu.memory_space<vmem>>
      %dma_wait3A_271 = arith.constant 0 : i32
      %dma_wait3A_272 = arith.constant 0 : i32
      %dma_wait3A_273 = tpu.memref_slice %arg2[%dma_wait3A_271, %dma_wait3A_272] : memref<524288x16xf32, #tpu.memory_space<hbm>> -> memref<524288x16xf32, #tpu.memory_space<hbm>>
      tpu.wait_indirect_dma semaphore(%arg7 : memref<!tpu.dma_semaphore, #tpu.memory_space<semaphore_mem>>) src(%dma_wait3A_273 : memref<524288x16xf32, #tpu.memory_space<hbm>>) dst(%dma_wait3A_267 : memref<128x16xf32, #tpu.memory_space<vmem>>)
      %dma_wait3A_274 = arith.constant 768 : i32
      %dma_wait3A_275 = arith.constant 0 : i32
      %dma_wait3A_276 = tpu.memref_slice %arg6[%dma_wait3A_274, %dma_wait3A_275] : memref<2048x16xf32, #tpu.memory_space<vmem>> -> memref<128x16xf32, #tpu.memory_space<vmem>>
      %dma_wait3A_277 = arith.constant 0 : i32
      %dma_wait3A_278 = tpu.memref_slice %arg5[%add3A_94, %dma_wait3A_277] : memref<128x128xi32, #tpu.memory_space<vmem>> -> memref<1x128xi32, #tpu.memory_space<vmem>>
      %dma_wait3A_279 = tpu.memref_squeeze %dma_wait3A_278 : memref<1x128xi32, #tpu.memory_space<vmem>> -> memref<128xi32, #tpu.memory_space<vmem>>
      %dma_wait3A_280 = arith.constant 0 : i32
      %dma_wait3A_281 = arith.constant 0 : i32
      %dma_wait3A_282 = tpu.memref_slice %arg2[%dma_wait3A_280, %dma_wait3A_281] : memref<524288x16xf32, #tpu.memory_space<hbm>> -> memref<524288x16xf32, #tpu.memory_space<hbm>>
      tpu.wait_indirect_dma semaphore(%arg7 : memref<!tpu.dma_semaphore, #tpu.memory_space<semaphore_mem>>) src(%dma_wait3A_282 : memref<524288x16xf32, #tpu.memory_space<hbm>>) dst(%dma_wait3A_276 : memref<128x16xf32, #tpu.memory_space<vmem>>)
      %dma_wait3A_283 = arith.constant 896 : i32
      %dma_wait3A_284 = arith.constant 0 : i32
      %dma_wait3A_285 = tpu.memref_slice %arg6[%dma_wait3A_283, %dma_wait3A_284] : memref<2048x16xf32, #tpu.memory_space<vmem>> -> memref<128x16xf32, #tpu.memory_space<vmem>>
      %dma_wait3A_286 = arith.constant 0 : i32
      %dma_wait3A_287 = tpu.memref_slice %arg5[%add3A_107, %dma_wait3A_286] : memref<128x128xi32, #tpu.memory_space<vmem>> -> memref<1x128xi32, #tpu.memory_space<vmem>>
      %dma_wait3A_288 = tpu.memref_squeeze %dma_wait3A_287 : memref<1x128xi32, #tpu.memory_space<vmem>> -> memref<128xi32, #tpu.memory_space<vmem>>
      %dma_wait3A_289 = arith.constant 0 : i32
      %dma_wait3A_290 = arith.constant 0 : i32
      %dma_wait3A_291 = tpu.memref_slice %arg2[%dma_wait3A_289, %dma_wait3A_290] : memref<524288x16xf32, #tpu.memory_space<hbm>> -> memref<524288x16xf32, #tpu.memory_space<hbm>>
      tpu.wait_indirect_dma semaphore(%arg7 : memref<!tpu.dma_semaphore, #tpu.memory_space<semaphore_mem>>) src(%dma_wait3A_291 : memref<524288x16xf32, #tpu.memory_space<hbm>>) dst(%dma_wait3A_285 : memref<128x16xf32, #tpu.memory_space<vmem>>)
      %dma_wait3A_292 = arith.constant 1024 : i32
      %dma_wait3A_293 = arith.constant 0 : i32
      %dma_wait3A_294 = tpu.memref_slice %arg6[%dma_wait3A_292, %dma_wait3A_293] : memref<2048x16xf32, #tpu.memory_space<vmem>> -> memref<128x16xf32, #tpu.memory_space<vmem>>
      %dma_wait3A_295 = arith.constant 0 : i32
      %dma_wait3A_296 = tpu.memref_slice %arg5[%add3A_120, %dma_wait3A_295] : memref<128x128xi32, #tpu.memory_space<vmem>> -> memref<1x128xi32, #tpu.memory_space<vmem>>
      %dma_wait3A_297 = tpu.memref_squeeze %dma_wait3A_296 : memref<1x128xi32, #tpu.memory_space<vmem>> -> memref<128xi32, #tpu.memory_space<vmem>>
      %dma_wait3A_298 = arith.constant 0 : i32
      %dma_wait3A_299 = arith.constant 0 : i32
      %dma_wait3A_300 = tpu.memref_slice %arg2[%dma_wait3A_298, %dma_wait3A_299] : memref<524288x16xf32, #tpu.memory_space<hbm>> -> memref<524288x16xf32, #tpu.memory_space<hbm>>
      tpu.wait_indirect_dma semaphore(%arg7 : memref<!tpu.dma_semaphore, #tpu.memory_space<semaphore_mem>>) src(%dma_wait3A_300 : memref<524288x16xf32, #tpu.memory_space<hbm>>) dst(%dma_wait3A_294 : memref<128x16xf32, #tpu.memory_space<vmem>>)
      %dma_wait3A_301 = arith.constant 1152 : i32
      %dma_wait3A_302 = arith.constant 0 : i32
      %dma_wait3A_303 = tpu.memref_slice %arg6[%dma_wait3A_301, %dma_wait3A_302] : memref<2048x16xf32, #tpu.memory_space<vmem>> -> memref<128x16xf32, #tpu.memory_space<vmem>>
      %dma_wait3A_304 = arith.constant 0 : i32
      %dma_wait3A_305 = tpu.memref_slice %arg5[%add3A_133, %dma_wait3A_304] : memref<128x128xi32, #tpu.memory_space<vmem>> -> memref<1x128xi32, #tpu.memory_space<vmem>>
      %dma_wait3A_306 = tpu.memref_squeeze %dma_wait3A_305 : memref<1x128xi32, #tpu.memory_space<vmem>> -> memref<128xi32, #tpu.memory_space<vmem>>
      %dma_wait3A_307 = arith.constant 0 : i32
      %dma_wait3A_308 = arith.constant 0 : i32
      %dma_wait3A_309 = tpu.memref_slice %arg2[%dma_wait3A_307, %dma_wait3A_308] : memref<524288x16xf32, #tpu.memory_space<hbm>> -> memref<524288x16xf32, #tpu.memory_space<hbm>>
      tpu.wait_indirect_dma semaphore(%arg7 : memref<!tpu.dma_semaphore, #tpu.memory_space<semaphore_mem>>) src(%dma_wait3A_309 : memref<524288x16xf32, #tpu.memory_space<hbm>>) dst(%dma_wait3A_303 : memref<128x16xf32, #tpu.memory_space<vmem>>)
      %dma_wait3A_310 = arith.constant 1280 : i32
      %dma_wait3A_311 = arith.constant 0 : i32
      %dma_wait3A_312 = tpu.memref_slice %arg6[%dma_wait3A_310, %dma_wait3A_311] : memref<2048x16xf32, #tpu.memory_space<vmem>> -> memref<128x16xf32, #tpu.memory_space<vmem>>
      %dma_wait3A_313 = arith.constant 0 : i32
      %dma_wait3A_314 = tpu.memref_slice %arg5[%add3A_146, %dma_wait3A_313] : memref<128x128xi32, #tpu.memory_space<vmem>> -> memref<1x128xi32, #tpu.memory_space<vmem>>
      %dma_wait3A_315 = tpu.memref_squeeze %dma_wait3A_314 : memref<1x128xi32, #tpu.memory_space<vmem>> -> memref<128xi32, #tpu.memory_space<vmem>>
      %dma_wait3A_316 = arith.constant 0 : i32
      %dma_wait3A_317 = arith.constant 0 : i32
      %dma_wait3A_318 = tpu.memref_slice %arg2[%dma_wait3A_316, %dma_wait3A_317] : memref<524288x16xf32, #tpu.memory_space<hbm>> -> memref<524288x16xf32, #tpu.memory_space<hbm>>
      tpu.wait_indirect_dma semaphore(%arg7 : memref<!tpu.dma_semaphore, #tpu.memory_space<semaphore_mem>>) src(%dma_wait3A_318 : memref<524288x16xf32, #tpu.memory_space<hbm>>) dst(%dma_wait3A_312 : memref<128x16xf32, #tpu.memory_space<vmem>>)
      %dma_wait3A_319 = arith.constant 1408 : i32
      %dma_wait3A_320 = arith.constant 0 : i32
      %dma_wait3A_321 = tpu.memref_slice %arg6[%dma_wait3A_319, %dma_wait3A_320] : memref<2048x16xf32, #tpu.memory_space<vmem>> -> memref<128x16xf32, #tpu.memory_space<vmem>>
      %dma_wait3A_322 = arith.constant 0 : i32
      %dma_wait3A_323 = tpu.memref_slice %arg5[%add3A_159, %dma_wait3A_322] : memref<128x128xi32, #tpu.memory_space<vmem>> -> memref<1x128xi32, #tpu.memory_space<vmem>>
      %dma_wait3A_324 = tpu.memref_squeeze %dma_wait3A_323 : memref<1x128xi32, #tpu.memory_space<vmem>> -> memref<128xi32, #tpu.memory_space<vmem>>
      %dma_wait3A_325 = arith.constant 0 : i32
      %dma_wait3A_326 = arith.constant 0 : i32
      %dma_wait3A_327 = tpu.memref_slice %arg2[%dma_wait3A_325, %dma_wait3A_326] : memref<524288x16xf32, #tpu.memory_space<hbm>> -> memref<524288x16xf32, #tpu.memory_space<hbm>>
      tpu.wait_indirect_dma semaphore(%arg7 : memref<!tpu.dma_semaphore, #tpu.memory_space<semaphore_mem>>) src(%dma_wait3A_327 : memref<524288x16xf32, #tpu.memory_space<hbm>>) dst(%dma_wait3A_321 : memref<128x16xf32, #tpu.memory_space<vmem>>)
      %dma_wait3A_328 = arith.constant 1536 : i32
      %dma_wait3A_329 = arith.constant 0 : i32
      %dma_wait3A_330 = tpu.memref_slice %arg6[%dma_wait3A_328, %dma_wait3A_329] : memref<2048x16xf32, #tpu.memory_space<vmem>> -> memref<128x16xf32, #tpu.memory_space<vmem>>
      %dma_wait3A_331 = arith.constant 0 : i32
      %dma_wait3A_332 = tpu.memref_slice %arg5[%add3A_172, %dma_wait3A_331] : memref<128x128xi32, #tpu.memory_space<vmem>> -> memref<1x128xi32, #tpu.memory_space<vmem>>
      %dma_wait3A_333 = tpu.memref_squeeze %dma_wait3A_332 : memref<1x128xi32, #tpu.memory_space<vmem>> -> memref<128xi32, #tpu.memory_space<vmem>>
      %dma_wait3A_334 = arith.constant 0 : i32
      %dma_wait3A_335 = arith.constant 0 : i32
      %dma_wait3A_336 = tpu.memref_slice %arg2[%dma_wait3A_334, %dma_wait3A_335] : memref<524288x16xf32, #tpu.memory_space<hbm>> -> memref<524288x16xf32, #tpu.memory_space<hbm>>
      tpu.wait_indirect_dma semaphore(%arg7 : memref<!tpu.dma_semaphore, #tpu.memory_space<semaphore_mem>>) src(%dma_wait3A_336 : memref<524288x16xf32, #tpu.memory_space<hbm>>) dst(%dma_wait3A_330 : memref<128x16xf32, #tpu.memory_space<vmem>>)
      %dma_wait3A_337 = arith.constant 1664 : i32
      %dma_wait3A_338 = arith.constant 0 : i32
      %dma_wait3A_339 = tpu.memref_slice %arg6[%dma_wait3A_337, %dma_wait3A_338] : memref<2048x16xf32, #tpu.memory_space<vmem>> -> memref<128x16xf32, #tpu.memory_space<vmem>>
      %dma_wait3A_340 = arith.constant 0 : i32
      %dma_wait3A_341 = tpu.memref_slice %arg5[%add3A_185, %dma_wait3A_340] : memref<128x128xi32, #tpu.memory_space<vmem>> -> memref<1x128xi32, #tpu.memory_space<vmem>>
      %dma_wait3A_342 = tpu.memref_squeeze %dma_wait3A_341 : memref<1x128xi32, #tpu.memory_space<vmem>> -> memref<128xi32, #tpu.memory_space<vmem>>
      %dma_wait3A_343 = arith.constant 0 : i32
      %dma_wait3A_344 = arith.constant 0 : i32
      %dma_wait3A_345 = tpu.memref_slice %arg2[%dma_wait3A_343, %dma_wait3A_344] : memref<524288x16xf32, #tpu.memory_space<hbm>> -> memref<524288x16xf32, #tpu.memory_space<hbm>>
      tpu.wait_indirect_dma semaphore(%arg7 : memref<!tpu.dma_semaphore, #tpu.memory_space<semaphore_mem>>) src(%dma_wait3A_345 : memref<524288x16xf32, #tpu.memory_space<hbm>>) dst(%dma_wait3A_339 : memref<128x16xf32, #tpu.memory_space<vmem>>)
      %dma_wait3A_346 = arith.constant 1792 : i32
      %dma_wait3A_347 = arith.constant 0 : i32
      %dma_wait3A_348 = tpu.memref_slice %arg6[%dma_wait3A_346, %dma_wait3A_347] : memref<2048x16xf32, #tpu.memory_space<vmem>> -> memref<128x16xf32, #tpu.memory_space<vmem>>
      %dma_wait3A_349 = arith.constant 0 : i32
      %dma_wait3A_350 = tpu.memref_slice %arg5[%add3A_198, %dma_wait3A_349] : memref<128x128xi32, #tpu.memory_space<vmem>> -> memref<1x128xi32, #tpu.memory_space<vmem>>
      %dma_wait3A_351 = tpu.memref_squeeze %dma_wait3A_350 : memref<1x128xi32, #tpu.memory_space<vmem>> -> memref<128xi32, #tpu.memory_space<vmem>>
      %dma_wait3A_352 = arith.constant 0 : i32
      %dma_wait3A_353 = arith.constant 0 : i32
      %dma_wait3A_354 = tpu.memref_slice %arg2[%dma_wait3A_352, %dma_wait3A_353] : memref<524288x16xf32, #tpu.memory_space<hbm>> -> memref<524288x16xf32, #tpu.memory_space<hbm>>
      tpu.wait_indirect_dma semaphore(%arg7 : memref<!tpu.dma_semaphore, #tpu.memory_space<semaphore_mem>>) src(%dma_wait3A_354 : memref<524288x16xf32, #tpu.memory_space<hbm>>) dst(%dma_wait3A_348 : memref<128x16xf32, #tpu.memory_space<vmem>>)
      %dma_wait3A_355 = arith.constant 1920 : i32
      %dma_wait3A_356 = arith.constant 0 : i32
      %dma_wait3A_357 = tpu.memref_slice %arg6[%dma_wait3A_355, %dma_wait3A_356] : memref<2048x16xf32, #tpu.memory_space<vmem>> -> memref<128x16xf32, #tpu.memory_space<vmem>>
      %dma_wait3A_358 = arith.constant 0 : i32
      %dma_wait3A_359 = tpu.memref_slice %arg5[%add3A_211, %dma_wait3A_358] : memref<128x128xi32, #tpu.memory_space<vmem>> -> memref<1x128xi32, #tpu.memory_space<vmem>>
      %dma_wait3A_360 = tpu.memref_squeeze %dma_wait3A_359 : memref<1x128xi32, #tpu.memory_space<vmem>> -> memref<128xi32, #tpu.memory_space<vmem>>
      %dma_wait3A_361 = arith.constant 0 : i32
      %dma_wait3A_362 = arith.constant 0 : i32
      %dma_wait3A_363 = tpu.memref_slice %arg2[%dma_wait3A_361, %dma_wait3A_362] : memref<524288x16xf32, #tpu.memory_space<hbm>> -> memref<524288x16xf32, #tpu.memory_space<hbm>>
      tpu.wait_indirect_dma semaphore(%arg7 : memref<!tpu.dma_semaphore, #tpu.memory_space<semaphore_mem>>) src(%dma_wait3A_363 : memref<524288x16xf32, #tpu.memory_space<hbm>>) dst(%dma_wait3A_357 : memref<128x16xf32, #tpu.memory_space<vmem>>)
      %mul3A_364 = arith.constant 2048 : i32
      %mul3A_365 = arith.muli %add3A_13, %mul3A_364 : i32
      %add3A_366 = arith.addi %mul3A_2, %mul3A_365 : i32
      "tpu.region"() ({
        %run_scoped3A = tpu.sem_alloc : memref<!tpu.dma_semaphore, #tpu.memory_space<semaphore_mem>>
        %dma_start3A_367 = arith.constant 0 : i32
        %dma_start3A_368 = tpu.memref_slice %arg4[%add3A_366, %dma_start3A_367] : memref<524288x16xf32, #tpu.memory_space<hbm>> -> memref<2048x16xf32, #tpu.memory_space<hbm>>
        %dma_start3A_369 = arith.constant 0 : i32
        %dma_start3A_370 = tpu.memref_slice %arg4[%add3A_366, %dma_start3A_369] : memref<524288x16xf32, #tpu.memory_space<hbm>> -> memref<2048x16xf32, #tpu.memory_space<hbm>>
        tpu.enqueue_dma source(%arg6 : memref<2048x16xf32, #tpu.memory_space<vmem>>) target(%dma_start3A_370 : memref<2048x16xf32, #tpu.memory_space<hbm>>) target_semaphore(%run_scoped3A : memref<!tpu.dma_semaphore, #tpu.memory_space<semaphore_mem>>)
        %dma_wait3A_371 = arith.constant 0 : i32
        %dma_wait3A_372 = tpu.memref_slice %arg4[%add3A_366, %dma_wait3A_371] : memref<524288x16xf32, #tpu.memory_space<hbm>> -> memref<2048x16xf32, #tpu.memory_space<hbm>>
        %dma_wait3A_373 = arith.constant 0 : i32
        %dma_wait3A_374 = tpu.memref_slice %arg4[%add3A_366, %dma_wait3A_373] : memref<524288x16xf32, #tpu.memory_space<hbm>> -> memref<2048x16xf32, #tpu.memory_space<hbm>>
        tpu.wait_dma2 semaphore(%run_scoped3A : memref<!tpu.dma_semaphore, #tpu.memory_space<semaphore_mem>>) src(%arg6 : memref<2048x16xf32, #tpu.memory_space<vmem>>) dst(%dma_wait3A_374 : memref<2048x16xf32, #tpu.memory_space<hbm>>)
        tpu.yield
      }) : () -> ()
    }
    %scan3A_8 = arith.constant 8 : i32
    return
  }
}

module attributes {stable_mosaic.version = 14 : i64} {
  func.func @_tc_body(%arg0: i32, %arg1: memref<1x2048x128xf32, #tpu.memory_space<vmem>>, %arg2: memref<1x2048x128xf32, #tpu.memory_space<vmem>>, %arg3: memref<32x64xf32, #tpu.memory_space<vmem>>, %arg4: memref<32x8xf32, #tpu.memory_space<vmem>>, %arg5: memref<8x128x128xf32, #tpu.memory_space<vmem>>, %arg6: memref<128x64xf32, #tpu.memory_space<vmem>>, %arg7: memref<1x2048x128xf32, #tpu.memory_space<vmem>>, %arg8: memref<1x2048x8xf32, #tpu.memory_space<vmem>>) attributes {dimension_semantics = [#tpu.dimension_semantics<arbitrary>], iteration_bounds = array<i64: 32>, scalar_prefetch = 0 : i64, scratch_operands = 0 : i64, tpu.core_type = #tpu.core_type<tc>, window_params = [{transform_indices = @transform_0, window_bounds = array<i64: 1, 2048, 128>}, {transform_indices = @transform_1, window_bounds = array<i64: 1, 2048, 128>}, {pipeline_mode = #tpu.pipeline_mode<synchronous>, transform_indices = @transform_2, window_bounds = array<i64: 32, 64>}, {pipeline_mode = #tpu.pipeline_mode<synchronous>, transform_indices = @transform_3, window_bounds = array<i64: 32, 8>}, {pipeline_mode = #tpu.pipeline_mode<synchronous>, transform_indices = @transform_4, window_bounds = array<i64: 8, 128, 128>}, {pipeline_mode = #tpu.pipeline_mode<synchronous>, transform_indices = @transform_5, window_bounds = array<i64: 128, 64>}, {transform_indices = @transform_6, window_bounds = array<i64: 1, 2048, 128>}, {transform_indices = @transform_7, window_bounds = array<i64: 1, 2048, 8>}]} {
    %get3A = arith.index_cast %arg0 : i32 to index
    %get3A_0 = arith.constant 0 : index
    %get3A_1 = vector.load %arg3[%get3A, %get3A_0] : memref<32x64xf32, #tpu.memory_space<vmem>>, vector<1x64xf32>
    %iota3A = tpu.iota {dimensions = array<i32: 0>} : vector<64x8xi32>
    %iota3A_2 = tpu.iota {dimensions = array<i32: 1>} : vector<64x8xi32>
    %jit3A = arith.constant 8 : i32
    %div3A = vector.broadcast %jit3A : i32 to vector<64x8xi32>
    %div3A_3 = arith.divsi %iota3A, %div3A : vector<64x8xi32>
    %sign3A = arith.constant 0 : i32
    %sign3A_4 = vector.broadcast %sign3A : i32 to vector<64x8xi32>
    %sign3A_5 = arith.cmpi sgt, %iota3A, %sign3A_4 : vector<64x8xi32>
    %sign3A_6 = arith.extui %sign3A_5 : vector<64x8xi1> to vector<64x8xi32>
    %sign3A_7 = arith.constant 0 : i32
    %sign3A_8 = vector.broadcast %sign3A_7 : i32 to vector<64x8xi32>
    %sign3A_9 = arith.cmpi slt, %iota3A, %sign3A_8 : vector<64x8xi32>
    %sign3A_10 = arith.extui %sign3A_9 : vector<64x8xi1> to vector<64x8xi32>
    %sign3A_11 = arith.subi %sign3A_6, %sign3A_10 : vector<64x8xi32>
    %sign3A_12 = arith.constant 0 : i32
    %sign3A_13 = arith.cmpi sgt, %jit3A, %sign3A_12 : i32
    %sign3A_14 = arith.extui %sign3A_13 : i1 to i32
    %sign3A_15 = arith.constant 0 : i32
    %sign3A_16 = arith.cmpi slt, %jit3A, %sign3A_15 : i32
    %sign3A_17 = arith.extui %sign3A_16 : i1 to i32
    %sign3A_18 = arith.subi %sign3A_14, %sign3A_17 : i32
    %ne3A = vector.broadcast %sign3A_18 : i32 to vector<64x8xi32>
    %ne3A_19 = arith.cmpi ne, %sign3A_11, %ne3A : vector<64x8xi32>
    %rem3A = vector.broadcast %jit3A : i32 to vector<64x8xi32>
    %rem3A_20 = arith.remsi %iota3A, %rem3A : vector<64x8xi32>
    %ne3A_21 = arith.constant 0 : i32
    %ne3A_22 = vector.broadcast %ne3A_21 : i32 to vector<64x8xi32>
    %ne3A_23 = arith.cmpi ne, %rem3A_20, %ne3A_22 : vector<64x8xi32>
    %and3A = arith.andi %ne3A_19, %ne3A_23 : vector<64x8xi1>
    %sub3A = arith.constant 1 : i32
    %sub3A_24 = vector.broadcast %sub3A : i32 to vector<64x8xi32>
    %sub3A_25 = arith.subi %div3A_3, %sub3A_24 : vector<64x8xi32>
    %select_n3A = arith.select %and3A, %sub3A_25, %div3A_3 : vector<64x8xi1>, vector<64x8xi32>
    %eq3A = arith.cmpi eq, %select_n3A, %iota3A_2 : vector<64x8xi32>
    %convert_element_type3A = arith.extui %eq3A : vector<64x8xi1> to vector<64x8xi32>
    %convert_element_type3A_26 = arith.sitofp %convert_element_type3A : vector<64x8xi32> to vector<64x8xf32>
    %get3A_27 = arith.constant 0 : index
    %get3A_28 = arith.constant 0 : index
    %get3A_29 = arith.constant 0 : index
    %get3A_30 = vector.load %arg1[%get3A_27, %get3A_28, %get3A_29] : memref<1x2048x128xf32, #tpu.memory_space<vmem>>, vector<1x256x128xf32>
    %get3A_31 = vector.shape_cast %get3A_30 : vector<1x256x128xf32> to vector<256x128xf32>
    %get3A_32 = arith.constant 0 : index
    %get3A_33 = arith.constant 0 : index
    %get3A_34 = arith.constant 0 : index
    %get3A_35 = vector.load %arg5[%get3A_32, %get3A_33, %get3A_34] : memref<8x128x128xf32, #tpu.memory_space<vmem>>, vector<1x128x128xf32>
    %get3A_36 = vector.shape_cast %get3A_35 : vector<1x128x128xf32> to vector<128x128xf32>
    %dot_general3A = arith.constant dense<0.000000e+00> : vector<256x128xf32>
    %dot_general3A_37 = tpu.matmul %get3A_31, %get3A_36, %dot_general3A {dimension_numbers = #tpu.dot_dimension_numbers<[1], [0], [0], [1], [0, 0, 1, 1], [], []>, transpose_lhs_hint = false} : vector<256x128xf32>, vector<128x128xf32>, vector<256x128xf32> -> vector<256x128xf32>
    %get3A_38 = arith.constant 0 : index
    %get3A_39 = arith.constant 0 : index
    %get3A_40 = arith.constant 0 : index
    %get3A_41 = vector.load %arg2[%get3A_38, %get3A_39, %get3A_40] : memref<1x2048x128xf32, #tpu.memory_space<vmem>>, vector<1x256x128xf32>
    %get3A_42 = vector.shape_cast %get3A_41 : vector<1x256x128xf32> to vector<256x128xf32>
    %add3A = arith.addf %dot_general3A_37, %get3A_42 : vector<256x128xf32>
    %swap3A = arith.constant 0 : index
    %swap3A_43 = arith.constant 0 : index
    %swap3A_44 = arith.constant 0 : index
    %swap3A_45 = vector.load %arg7[%swap3A, %swap3A_43, %swap3A_44] : memref<1x2048x128xf32, #tpu.memory_space<vmem>>, vector<1x256x128xf32>
    %swap3A_46 = vector.shape_cast %swap3A_45 : vector<1x256x128xf32> to vector<256x128xf32>
    %swap3A_47 = vector.shape_cast %add3A : vector<256x128xf32> to vector<1x256x128xf32>
    tpu.vector_store %arg7[%swap3A, %swap3A_43, %swap3A_44], %swap3A_47 {strides = array<i32>} : memref<1x2048x128xf32, #tpu.memory_space<vmem>>, vector<1x256x128xf32>,
    %get3A_48 = arith.constant 0 : index
    %get3A_49 = arith.constant 0 : index
    %get3A_50 = vector.load %arg6[%get3A_48, %get3A_49] : memref<128x64xf32, #tpu.memory_space<vmem>>, vector<128x64xf32>
    %dot_general3A_51 = arith.constant dense<0.000000e+00> : vector<256x64xf32>
    %dot_general3A_52 = tpu.matmul %add3A, %get3A_50, %dot_general3A_51 {dimension_numbers = #tpu.dot_dimension_numbers<[1], [0], [0], [1], [0, 0, 1, 1], [], []>, transpose_lhs_hint = false} : vector<256x128xf32>, vector<128x64xf32>, vector<256x64xf32> -> vector<256x64xf32>
    %sub3A_53 = vector.broadcast %get3A_1 : vector<1x64xf32> to vector<256x64xf32>
    %sub3A_54 = arith.subf %sub3A_53, %dot_general3A_52 : vector<256x64xf32>
    %mul3A = arith.mulf %sub3A_54, %sub3A_54 : vector<256x64xf32>
    %dot_general3A_55 = arith.constant dense<0.000000e+00> : vector<256x8xf32>
    %dot_general3A_56 = tpu.matmul %mul3A, %convert_element_type3A_26, %dot_general3A_55 {dimension_numbers = #tpu.dot_dimension_numbers<[1], [0], [0], [1], [0, 0, 1, 1], [], []>, precision = #tpu.contract_precision<fp32>, transpose_lhs_hint = false} : vector<256x64xf32>, vector<64x8xf32>, vector<256x8xf32> -> vector<256x8xf32>
    %mul3A_57 = arith.constant -5.000000e-01 : f32
    %mul3A_58 = vector.broadcast %mul3A_57 : f32 to vector<256x8xf32>
    %mul3A_59 = arith.mulf %mul3A_58, %dot_general3A_56 : vector<256x8xf32>
    %sub3A_60 = arith.constant 7.62461901 : f32
    %sub3A_61 = vector.broadcast %sub3A_60 : f32 to vector<256x8xf32>
    %sub3A_62 = arith.subf %mul3A_59, %sub3A_61 : vector<256x8xf32>
    %get3A_63 = arith.index_cast %arg0 : i32 to index
    %get3A_64 = arith.constant 0 : index
    %get3A_65 = vector.load %arg4[%get3A_63, %get3A_64] : memref<32x8xf32, #tpu.memory_space<vmem>>, vector<1x1xf32>
    %add3A_66 = vector.broadcast %get3A_65 : vector<1x1xf32> to vector<256x8xf32>
    %add3A_67 = arith.addf %sub3A_62, %add3A_66 : vector<256x8xf32>
    %get3A_68 = arith.constant 0 : index
    %get3A_69 = arith.constant 256 : index
    %get3A_70 = arith.constant 0 : index
    %get3A_71 = vector.load %arg1[%get3A_68, %get3A_69, %get3A_70] : memref<1x2048x128xf32, #tpu.memory_space<vmem>>, vector<1x256x128xf32>
    %get3A_72 = vector.shape_cast %get3A_71 : vector<1x256x128xf32> to vector<256x128xf32>
    %get3A_73 = arith.constant 1 : index
    %get3A_74 = arith.constant 0 : index
    %get3A_75 = arith.constant 0 : index
    %get3A_76 = vector.load %arg5[%get3A_73, %get3A_74, %get3A_75] : memref<8x128x128xf32, #tpu.memory_space<vmem>>, vector<1x128x128xf32>
    %get3A_77 = vector.shape_cast %get3A_76 : vector<1x128x128xf32> to vector<128x128xf32>
    %dot_general3A_78 = arith.constant dense<0.000000e+00> : vector<256x128xf32>
    %dot_general3A_79 = tpu.matmul %get3A_72, %get3A_77, %dot_general3A_78 {dimension_numbers = #tpu.dot_dimension_numbers<[1], [0], [0], [1], [0, 0, 1, 1], [], []>, transpose_lhs_hint = false} : vector<256x128xf32>, vector<128x128xf32>, vector<256x128xf32> -> vector<256x128xf32>
    %get3A_80 = arith.constant 0 : index
    %get3A_81 = arith.constant 256 : index
    %get3A_82 = arith.constant 0 : index
    %get3A_83 = vector.load %arg2[%get3A_80, %get3A_81, %get3A_82] : memref<1x2048x128xf32, #tpu.memory_space<vmem>>, vector<1x256x128xf32>
    %get3A_84 = vector.shape_cast %get3A_83 : vector<1x256x128xf32> to vector<256x128xf32>
    %add3A_85 = arith.addf %dot_general3A_79, %get3A_84 : vector<256x128xf32>
    %swap3A_86 = arith.constant 0 : index
    %swap3A_87 = arith.constant 256 : index
    %swap3A_88 = arith.constant 0 : index
    %swap3A_89 = vector.load %arg7[%swap3A_86, %swap3A_87, %swap3A_88] : memref<1x2048x128xf32, #tpu.memory_space<vmem>>, vector<1x256x128xf32>
    %swap3A_90 = vector.shape_cast %swap3A_89 : vector<1x256x128xf32> to vector<256x128xf32>
    %swap3A_91 = vector.shape_cast %add3A_85 : vector<256x128xf32> to vector<1x256x128xf32>
    tpu.vector_store %arg7[%swap3A_86, %swap3A_87, %swap3A_88], %swap3A_91 {strides = array<i32>} : memref<1x2048x128xf32, #tpu.memory_space<vmem>>, vector<1x256x128xf32>,
    %get3A_92 = arith.constant 0 : index
    %get3A_93 = arith.constant 0 : index
    %get3A_94 = vector.load %arg6[%get3A_92, %get3A_93] : memref<128x64xf32, #tpu.memory_space<vmem>>, vector<128x64xf32>
    %dot_general3A_95 = arith.constant dense<0.000000e+00> : vector<256x64xf32>
    %dot_general3A_96 = tpu.matmul %add3A_85, %get3A_94, %dot_general3A_95 {dimension_numbers = #tpu.dot_dimension_numbers<[1], [0], [0], [1], [0, 0, 1, 1], [], []>, transpose_lhs_hint = false} : vector<256x128xf32>, vector<128x64xf32>, vector<256x64xf32> -> vector<256x64xf32>
    %sub3A_97 = vector.broadcast %get3A_1 : vector<1x64xf32> to vector<256x64xf32>
    %sub3A_98 = arith.subf %sub3A_97, %dot_general3A_96 : vector<256x64xf32>
    %mul3A_99 = arith.mulf %sub3A_98, %sub3A_98 : vector<256x64xf32>
    %dot_general3A_100 = arith.constant dense<0.000000e+00> : vector<256x8xf32>
    %dot_general3A_101 = tpu.matmul %mul3A_99, %convert_element_type3A_26, %dot_general3A_100 {dimension_numbers = #tpu.dot_dimension_numbers<[1], [0], [0], [1], [0, 0, 1, 1], [], []>, precision = #tpu.contract_precision<fp32>, transpose_lhs_hint = false} : vector<256x64xf32>, vector<64x8xf32>, vector<256x8xf32> -> vector<256x8xf32>
    %mul3A_102 = arith.constant -5.000000e-01 : f32
    %mul3A_103 = vector.broadcast %mul3A_102 : f32 to vector<256x8xf32>
    %mul3A_104 = arith.mulf %mul3A_103, %dot_general3A_101 : vector<256x8xf32>
    %sub3A_105 = arith.constant 7.62461901 : f32
    %sub3A_106 = vector.broadcast %sub3A_105 : f32 to vector<256x8xf32>
    %sub3A_107 = arith.subf %mul3A_104, %sub3A_106 : vector<256x8xf32>
    %get3A_108 = arith.index_cast %arg0 : i32 to index
    %get3A_109 = arith.constant 1 : index
    %get3A_110 = vector.load %arg4[%get3A_108, %get3A_109] : memref<32x8xf32, #tpu.memory_space<vmem>>, vector<1x1xf32>
    %add3A_111 = vector.broadcast %get3A_110 : vector<1x1xf32> to vector<256x8xf32>
    %add3A_112 = arith.addf %sub3A_107, %add3A_111 : vector<256x8xf32>
    %get3A_113 = arith.constant 0 : index
    %get3A_114 = arith.constant 512 : index
    %get3A_115 = arith.constant 0 : index
    %get3A_116 = vector.load %arg1[%get3A_113, %get3A_114, %get3A_115] : memref<1x2048x128xf32, #tpu.memory_space<vmem>>, vector<1x256x128xf32>
    %get3A_117 = vector.shape_cast %get3A_116 : vector<1x256x128xf32> to vector<256x128xf32>
    %get3A_118 = arith.constant 2 : index
    %get3A_119 = arith.constant 0 : index
    %get3A_120 = arith.constant 0 : index
    %get3A_121 = vector.load %arg5[%get3A_118, %get3A_119, %get3A_120] : memref<8x128x128xf32, #tpu.memory_space<vmem>>, vector<1x128x128xf32>
    %get3A_122 = vector.shape_cast %get3A_121 : vector<1x128x128xf32> to vector<128x128xf32>
    %dot_general3A_123 = arith.constant dense<0.000000e+00> : vector<256x128xf32>
    %dot_general3A_124 = tpu.matmul %get3A_117, %get3A_122, %dot_general3A_123 {dimension_numbers = #tpu.dot_dimension_numbers<[1], [0], [0], [1], [0, 0, 1, 1], [], []>, transpose_lhs_hint = false} : vector<256x128xf32>, vector<128x128xf32>, vector<256x128xf32> -> vector<256x128xf32>
    %get3A_125 = arith.constant 0 : index
    %get3A_126 = arith.constant 512 : index
    %get3A_127 = arith.constant 0 : index
    %get3A_128 = vector.load %arg2[%get3A_125, %get3A_126, %get3A_127] : memref<1x2048x128xf32, #tpu.memory_space<vmem>>, vector<1x256x128xf32>
    %get3A_129 = vector.shape_cast %get3A_128 : vector<1x256x128xf32> to vector<256x128xf32>
    %add3A_130 = arith.addf %dot_general3A_124, %get3A_129 : vector<256x128xf32>
    %swap3A_131 = arith.constant 0 : index
    %swap3A_132 = arith.constant 512 : index
    %swap3A_133 = arith.constant 0 : index
    %swap3A_134 = vector.load %arg7[%swap3A_131, %swap3A_132, %swap3A_133] : memref<1x2048x128xf32, #tpu.memory_space<vmem>>, vector<1x256x128xf32>
    %swap3A_135 = vector.shape_cast %swap3A_134 : vector<1x256x128xf32> to vector<256x128xf32>
    %swap3A_136 = vector.shape_cast %add3A_130 : vector<256x128xf32> to vector<1x256x128xf32>
    tpu.vector_store %arg7[%swap3A_131, %swap3A_132, %swap3A_133], %swap3A_136 {strides = array<i32>} : memref<1x2048x128xf32, #tpu.memory_space<vmem>>, vector<1x256x128xf32>,
    %get3A_137 = arith.constant 0 : index
    %get3A_138 = arith.constant 0 : index
    %get3A_139 = vector.load %arg6[%get3A_137, %get3A_138] : memref<128x64xf32, #tpu.memory_space<vmem>>, vector<128x64xf32>
    %dot_general3A_140 = arith.constant dense<0.000000e+00> : vector<256x64xf32>
    %dot_general3A_141 = tpu.matmul %add3A_130, %get3A_139, %dot_general3A_140 {dimension_numbers = #tpu.dot_dimension_numbers<[1], [0], [0], [1], [0, 0, 1, 1], [], []>, transpose_lhs_hint = false} : vector<256x128xf32>, vector<128x64xf32>, vector<256x64xf32> -> vector<256x64xf32>
    %sub3A_142 = vector.broadcast %get3A_1 : vector<1x64xf32> to vector<256x64xf32>
    %sub3A_143 = arith.subf %sub3A_142, %dot_general3A_141 : vector<256x64xf32>
    %mul3A_144 = arith.mulf %sub3A_143, %sub3A_143 : vector<256x64xf32>
    %dot_general3A_145 = arith.constant dense<0.000000e+00> : vector<256x8xf32>
    %dot_general3A_146 = tpu.matmul %mul3A_144, %convert_element_type3A_26, %dot_general3A_145 {dimension_numbers = #tpu.dot_dimension_numbers<[1], [0], [0], [1], [0, 0, 1, 1], [], []>, precision = #tpu.contract_precision<fp32>, transpose_lhs_hint = false} : vector<256x64xf32>, vector<64x8xf32>, vector<256x8xf32> -> vector<256x8xf32>
    %mul3A_147 = arith.constant -5.000000e-01 : f32
    %mul3A_148 = vector.broadcast %mul3A_147 : f32 to vector<256x8xf32>
    %mul3A_149 = arith.mulf %mul3A_148, %dot_general3A_146 : vector<256x8xf32>
    %sub3A_150 = arith.constant 7.62461901 : f32
    %sub3A_151 = vector.broadcast %sub3A_150 : f32 to vector<256x8xf32>
    %sub3A_152 = arith.subf %mul3A_149, %sub3A_151 : vector<256x8xf32>
    %get3A_153 = arith.index_cast %arg0 : i32 to index
    %get3A_154 = arith.constant 2 : index
    %get3A_155 = vector.load %arg4[%get3A_153, %get3A_154] : memref<32x8xf32, #tpu.memory_space<vmem>>, vector<1x1xf32>
    %add3A_156 = vector.broadcast %get3A_155 : vector<1x1xf32> to vector<256x8xf32>
    %add3A_157 = arith.addf %sub3A_152, %add3A_156 : vector<256x8xf32>
    %get3A_158 = arith.constant 0 : index
    %get3A_159 = arith.constant 768 : index
    %get3A_160 = arith.constant 0 : index
    %get3A_161 = vector.load %arg1[%get3A_158, %get3A_159, %get3A_160] : memref<1x2048x128xf32, #tpu.memory_space<vmem>>, vector<1x256x128xf32>
    %get3A_162 = vector.shape_cast %get3A_161 : vector<1x256x128xf32> to vector<256x128xf32>
    %get3A_163 = arith.constant 3 : index
    %get3A_164 = arith.constant 0 : index
    %get3A_165 = arith.constant 0 : index
    %get3A_166 = vector.load %arg5[%get3A_163, %get3A_164, %get3A_165] : memref<8x128x128xf32, #tpu.memory_space<vmem>>, vector<1x128x128xf32>
    %get3A_167 = vector.shape_cast %get3A_166 : vector<1x128x128xf32> to vector<128x128xf32>
    %dot_general3A_168 = arith.constant dense<0.000000e+00> : vector<256x128xf32>
    %dot_general3A_169 = tpu.matmul %get3A_162, %get3A_167, %dot_general3A_168 {dimension_numbers = #tpu.dot_dimension_numbers<[1], [0], [0], [1], [0, 0, 1, 1], [], []>, transpose_lhs_hint = false} : vector<256x128xf32>, vector<128x128xf32>, vector<256x128xf32> -> vector<256x128xf32>
    %get3A_170 = arith.constant 0 : index
    %get3A_171 = arith.constant 768 : index
    %get3A_172 = arith.constant 0 : index
    %get3A_173 = vector.load %arg2[%get3A_170, %get3A_171, %get3A_172] : memref<1x2048x128xf32, #tpu.memory_space<vmem>>, vector<1x256x128xf32>
    %get3A_174 = vector.shape_cast %get3A_173 : vector<1x256x128xf32> to vector<256x128xf32>
    %add3A_175 = arith.addf %dot_general3A_169, %get3A_174 : vector<256x128xf32>
    %swap3A_176 = arith.constant 0 : index
    %swap3A_177 = arith.constant 768 : index
    %swap3A_178 = arith.constant 0 : index
    %swap3A_179 = vector.load %arg7[%swap3A_176, %swap3A_177, %swap3A_178] : memref<1x2048x128xf32, #tpu.memory_space<vmem>>, vector<1x256x128xf32>
    %swap3A_180 = vector.shape_cast %swap3A_179 : vector<1x256x128xf32> to vector<256x128xf32>
    %swap3A_181 = vector.shape_cast %add3A_175 : vector<256x128xf32> to vector<1x256x128xf32>
    tpu.vector_store %arg7[%swap3A_176, %swap3A_177, %swap3A_178], %swap3A_181 {strides = array<i32>} : memref<1x2048x128xf32, #tpu.memory_space<vmem>>, vector<1x256x128xf32>,
    %get3A_182 = arith.constant 0 : index
    %get3A_183 = arith.constant 0 : index
    %get3A_184 = vector.load %arg6[%get3A_182, %get3A_183] : memref<128x64xf32, #tpu.memory_space<vmem>>, vector<128x64xf32>
    %dot_general3A_185 = arith.constant dense<0.000000e+00> : vector<256x64xf32>
    %dot_general3A_186 = tpu.matmul %add3A_175, %get3A_184, %dot_general3A_185 {dimension_numbers = #tpu.dot_dimension_numbers<[1], [0], [0], [1], [0, 0, 1, 1], [], []>, transpose_lhs_hint = false} : vector<256x128xf32>, vector<128x64xf32>, vector<256x64xf32> -> vector<256x64xf32>
    %sub3A_187 = vector.broadcast %get3A_1 : vector<1x64xf32> to vector<256x64xf32>
    %sub3A_188 = arith.subf %sub3A_187, %dot_general3A_186 : vector<256x64xf32>
    %mul3A_189 = arith.mulf %sub3A_188, %sub3A_188 : vector<256x64xf32>
    %dot_general3A_190 = arith.constant dense<0.000000e+00> : vector<256x8xf32>
    %dot_general3A_191 = tpu.matmul %mul3A_189, %convert_element_type3A_26, %dot_general3A_190 {dimension_numbers = #tpu.dot_dimension_numbers<[1], [0], [0], [1], [0, 0, 1, 1], [], []>, precision = #tpu.contract_precision<fp32>, transpose_lhs_hint = false} : vector<256x64xf32>, vector<64x8xf32>, vector<256x8xf32> -> vector<256x8xf32>
    %mul3A_192 = arith.constant -5.000000e-01 : f32
    %mul3A_193 = vector.broadcast %mul3A_192 : f32 to vector<256x8xf32>
    %mul3A_194 = arith.mulf %mul3A_193, %dot_general3A_191 : vector<256x8xf32>
    %sub3A_195 = arith.constant 7.62461901 : f32
    %sub3A_196 = vector.broadcast %sub3A_195 : f32 to vector<256x8xf32>
    %sub3A_197 = arith.subf %mul3A_194, %sub3A_196 : vector<256x8xf32>
    %get3A_198 = arith.index_cast %arg0 : i32 to index
    %get3A_199 = arith.constant 3 : index
    %get3A_200 = vector.load %arg4[%get3A_198, %get3A_199] : memref<32x8xf32, #tpu.memory_space<vmem>>, vector<1x1xf32>
    %add3A_201 = vector.broadcast %get3A_200 : vector<1x1xf32> to vector<256x8xf32>
    %add3A_202 = arith.addf %sub3A_197, %add3A_201 : vector<256x8xf32>
    %get3A_203 = arith.constant 0 : index
    %get3A_204 = arith.constant 1024 : index
    %get3A_205 = arith.constant 0 : index
    %get3A_206 = vector.load %arg1[%get3A_203, %get3A_204, %get3A_205] : memref<1x2048x128xf32, #tpu.memory_space<vmem>>, vector<1x256x128xf32>
    %get3A_207 = vector.shape_cast %get3A_206 : vector<1x256x128xf32> to vector<256x128xf32>
    %get3A_208 = arith.constant 4 : index
    %get3A_209 = arith.constant 0 : index
    %get3A_210 = arith.constant 0 : index
    %get3A_211 = vector.load %arg5[%get3A_208, %get3A_209, %get3A_210] : memref<8x128x128xf32, #tpu.memory_space<vmem>>, vector<1x128x128xf32>
    %get3A_212 = vector.shape_cast %get3A_211 : vector<1x128x128xf32> to vector<128x128xf32>
    %dot_general3A_213 = arith.constant dense<0.000000e+00> : vector<256x128xf32>
    %dot_general3A_214 = tpu.matmul %get3A_207, %get3A_212, %dot_general3A_213 {dimension_numbers = #tpu.dot_dimension_numbers<[1], [0], [0], [1], [0, 0, 1, 1], [], []>, transpose_lhs_hint = false} : vector<256x128xf32>, vector<128x128xf32>, vector<256x128xf32> -> vector<256x128xf32>
    %get3A_215 = arith.constant 0 : index
    %get3A_216 = arith.constant 1024 : index
    %get3A_217 = arith.constant 0 : index
    %get3A_218 = vector.load %arg2[%get3A_215, %get3A_216, %get3A_217] : memref<1x2048x128xf32, #tpu.memory_space<vmem>>, vector<1x256x128xf32>
    %get3A_219 = vector.shape_cast %get3A_218 : vector<1x256x128xf32> to vector<256x128xf32>
    %add3A_220 = arith.addf %dot_general3A_214, %get3A_219 : vector<256x128xf32>
    %swap3A_221 = arith.constant 0 : index
    %swap3A_222 = arith.constant 1024 : index
    %swap3A_223 = arith.constant 0 : index
    %swap3A_224 = vector.load %arg7[%swap3A_221, %swap3A_222, %swap3A_223] : memref<1x2048x128xf32, #tpu.memory_space<vmem>>, vector<1x256x128xf32>
    %swap3A_225 = vector.shape_cast %swap3A_224 : vector<1x256x128xf32> to vector<256x128xf32>
    %swap3A_226 = vector.shape_cast %add3A_220 : vector<256x128xf32> to vector<1x256x128xf32>
    tpu.vector_store %arg7[%swap3A_221, %swap3A_222, %swap3A_223], %swap3A_226 {strides = array<i32>} : memref<1x2048x128xf32, #tpu.memory_space<vmem>>, vector<1x256x128xf32>,
    %get3A_227 = arith.constant 0 : index
    %get3A_228 = arith.constant 0 : index
    %get3A_229 = vector.load %arg6[%get3A_227, %get3A_228] : memref<128x64xf32, #tpu.memory_space<vmem>>, vector<128x64xf32>
    %dot_general3A_230 = arith.constant dense<0.000000e+00> : vector<256x64xf32>
    %dot_general3A_231 = tpu.matmul %add3A_220, %get3A_229, %dot_general3A_230 {dimension_numbers = #tpu.dot_dimension_numbers<[1], [0], [0], [1], [0, 0, 1, 1], [], []>, transpose_lhs_hint = false} : vector<256x128xf32>, vector<128x64xf32>, vector<256x64xf32> -> vector<256x64xf32>
    %sub3A_232 = vector.broadcast %get3A_1 : vector<1x64xf32> to vector<256x64xf32>
    %sub3A_233 = arith.subf %sub3A_232, %dot_general3A_231 : vector<256x64xf32>
    %mul3A_234 = arith.mulf %sub3A_233, %sub3A_233 : vector<256x64xf32>
    %dot_general3A_235 = arith.constant dense<0.000000e+00> : vector<256x8xf32>
    %dot_general3A_236 = tpu.matmul %mul3A_234, %convert_element_type3A_26, %dot_general3A_235 {dimension_numbers = #tpu.dot_dimension_numbers<[1], [0], [0], [1], [0, 0, 1, 1], [], []>, precision = #tpu.contract_precision<fp32>, transpose_lhs_hint = false} : vector<256x64xf32>, vector<64x8xf32>, vector<256x8xf32> -> vector<256x8xf32>
    %mul3A_237 = arith.constant -5.000000e-01 : f32
    %mul3A_238 = vector.broadcast %mul3A_237 : f32 to vector<256x8xf32>
    %mul3A_239 = arith.mulf %mul3A_238, %dot_general3A_236 : vector<256x8xf32>
    %sub3A_240 = arith.constant 7.62461901 : f32
    %sub3A_241 = vector.broadcast %sub3A_240 : f32 to vector<256x8xf32>
    %sub3A_242 = arith.subf %mul3A_239, %sub3A_241 : vector<256x8xf32>
    %get3A_243 = arith.index_cast %arg0 : i32 to index
    %get3A_244 = arith.constant 4 : index
    %get3A_245 = vector.load %arg4[%get3A_243, %get3A_244] : memref<32x8xf32, #tpu.memory_space<vmem>>, vector<1x1xf32>
    %add3A_246 = vector.broadcast %get3A_245 : vector<1x1xf32> to vector<256x8xf32>
    %add3A_247 = arith.addf %sub3A_242, %add3A_246 : vector<256x8xf32>
    %get3A_248 = arith.constant 0 : index
    %get3A_249 = arith.constant 1280 : index
    %get3A_250 = arith.constant 0 : index
    %get3A_251 = vector.load %arg1[%get3A_248, %get3A_249, %get3A_250] : memref<1x2048x128xf32, #tpu.memory_space<vmem>>, vector<1x256x128xf32>
    %get3A_252 = vector.shape_cast %get3A_251 : vector<1x256x128xf32> to vector<256x128xf32>
    %get3A_253 = arith.constant 5 : index
    %get3A_254 = arith.constant 0 : index
    %get3A_255 = arith.constant 0 : index
    %get3A_256 = vector.load %arg5[%get3A_253, %get3A_254, %get3A_255] : memref<8x128x128xf32, #tpu.memory_space<vmem>>, vector<1x128x128xf32>
    %get3A_257 = vector.shape_cast %get3A_256 : vector<1x128x128xf32> to vector<128x128xf32>
    %dot_general3A_258 = arith.constant dense<0.000000e+00> : vector<256x128xf32>
    %dot_general3A_259 = tpu.matmul %get3A_252, %get3A_257, %dot_general3A_258 {dimension_numbers = #tpu.dot_dimension_numbers<[1], [0], [0], [1], [0, 0, 1, 1], [], []>, transpose_lhs_hint = false} : vector<256x128xf32>, vector<128x128xf32>, vector<256x128xf32> -> vector<256x128xf32>
    %get3A_260 = arith.constant 0 : index
    %get3A_261 = arith.constant 1280 : index
    %get3A_262 = arith.constant 0 : index
    %get3A_263 = vector.load %arg2[%get3A_260, %get3A_261, %get3A_262] : memref<1x2048x128xf32, #tpu.memory_space<vmem>>, vector<1x256x128xf32>
    %get3A_264 = vector.shape_cast %get3A_263 : vector<1x256x128xf32> to vector<256x128xf32>
    %add3A_265 = arith.addf %dot_general3A_259, %get3A_264 : vector<256x128xf32>
    %swap3A_266 = arith.constant 0 : index
    %swap3A_267 = arith.constant 1280 : index
    %swap3A_268 = arith.constant 0 : index
    %swap3A_269 = vector.load %arg7[%swap3A_266, %swap3A_267, %swap3A_268] : memref<1x2048x128xf32, #tpu.memory_space<vmem>>, vector<1x256x128xf32>
    %swap3A_270 = vector.shape_cast %swap3A_269 : vector<1x256x128xf32> to vector<256x128xf32>
    %swap3A_271 = vector.shape_cast %add3A_265 : vector<256x128xf32> to vector<1x256x128xf32>
    tpu.vector_store %arg7[%swap3A_266, %swap3A_267, %swap3A_268], %swap3A_271 {strides = array<i32>} : memref<1x2048x128xf32, #tpu.memory_space<vmem>>, vector<1x256x128xf32>,
    %get3A_272 = arith.constant 0 : index
    %get3A_273 = arith.constant 0 : index
    %get3A_274 = vector.load %arg6[%get3A_272, %get3A_273] : memref<128x64xf32, #tpu.memory_space<vmem>>, vector<128x64xf32>
    %dot_general3A_275 = arith.constant dense<0.000000e+00> : vector<256x64xf32>
    %dot_general3A_276 = tpu.matmul %add3A_265, %get3A_274, %dot_general3A_275 {dimension_numbers = #tpu.dot_dimension_numbers<[1], [0], [0], [1], [0, 0, 1, 1], [], []>, transpose_lhs_hint = false} : vector<256x128xf32>, vector<128x64xf32>, vector<256x64xf32> -> vector<256x64xf32>
    %sub3A_277 = vector.broadcast %get3A_1 : vector<1x64xf32> to vector<256x64xf32>
    %sub3A_278 = arith.subf %sub3A_277, %dot_general3A_276 : vector<256x64xf32>
    %mul3A_279 = arith.mulf %sub3A_278, %sub3A_278 : vector<256x64xf32>
    %dot_general3A_280 = arith.constant dense<0.000000e+00> : vector<256x8xf32>
    %dot_general3A_281 = tpu.matmul %mul3A_279, %convert_element_type3A_26, %dot_general3A_280 {dimension_numbers = #tpu.dot_dimension_numbers<[1], [0], [0], [1], [0, 0, 1, 1], [], []>, precision = #tpu.contract_precision<fp32>, transpose_lhs_hint = false} : vector<256x64xf32>, vector<64x8xf32>, vector<256x8xf32> -> vector<256x8xf32>
    %mul3A_282 = arith.constant -5.000000e-01 : f32
    %mul3A_283 = vector.broadcast %mul3A_282 : f32 to vector<256x8xf32>
    %mul3A_284 = arith.mulf %mul3A_283, %dot_general3A_281 : vector<256x8xf32>
    %sub3A_285 = arith.constant 7.62461901 : f32
    %sub3A_286 = vector.broadcast %sub3A_285 : f32 to vector<256x8xf32>
    %sub3A_287 = arith.subf %mul3A_284, %sub3A_286 : vector<256x8xf32>
    %get3A_288 = arith.index_cast %arg0 : i32 to index
    %get3A_289 = arith.constant 5 : index
    %get3A_290 = vector.load %arg4[%get3A_288, %get3A_289] : memref<32x8xf32, #tpu.memory_space<vmem>>, vector<1x1xf32>
    %add3A_291 = vector.broadcast %get3A_290 : vector<1x1xf32> to vector<256x8xf32>
    %add3A_292 = arith.addf %sub3A_287, %add3A_291 : vector<256x8xf32>
    %get3A_293 = arith.constant 0 : index
    %get3A_294 = arith.constant 1536 : index
    %get3A_295 = arith.constant 0 : index
    %get3A_296 = vector.load %arg1[%get3A_293, %get3A_294, %get3A_295] : memref<1x2048x128xf32, #tpu.memory_space<vmem>>, vector<1x256x128xf32>
    %get3A_297 = vector.shape_cast %get3A_296 : vector<1x256x128xf32> to vector<256x128xf32>
    %get3A_298 = arith.constant 6 : index
    %get3A_299 = arith.constant 0 : index
    %get3A_300 = arith.constant 0 : index
    %get3A_301 = vector.load %arg5[%get3A_298, %get3A_299, %get3A_300] : memref<8x128x128xf32, #tpu.memory_space<vmem>>, vector<1x128x128xf32>
    %get3A_302 = vector.shape_cast %get3A_301 : vector<1x128x128xf32> to vector<128x128xf32>
    %dot_general3A_303 = arith.constant dense<0.000000e+00> : vector<256x128xf32>
    %dot_general3A_304 = tpu.matmul %get3A_297, %get3A_302, %dot_general3A_303 {dimension_numbers = #tpu.dot_dimension_numbers<[1], [0], [0], [1], [0, 0, 1, 1], [], []>, transpose_lhs_hint = false} : vector<256x128xf32>, vector<128x128xf32>, vector<256x128xf32> -> vector<256x128xf32>
    %get3A_305 = arith.constant 0 : index
    %get3A_306 = arith.constant 1536 : index
    %get3A_307 = arith.constant 0 : index
    %get3A_308 = vector.load %arg2[%get3A_305, %get3A_306, %get3A_307] : memref<1x2048x128xf32, #tpu.memory_space<vmem>>, vector<1x256x128xf32>
    %get3A_309 = vector.shape_cast %get3A_308 : vector<1x256x128xf32> to vector<256x128xf32>
    %add3A_310 = arith.addf %dot_general3A_304, %get3A_309 : vector<256x128xf32>
    %swap3A_311 = arith.constant 0 : index
    %swap3A_312 = arith.constant 1536 : index
    %swap3A_313 = arith.constant 0 : index
    %swap3A_314 = vector.load %arg7[%swap3A_311, %swap3A_312, %swap3A_313] : memref<1x2048x128xf32, #tpu.memory_space<vmem>>, vector<1x256x128xf32>
    %swap3A_315 = vector.shape_cast %swap3A_314 : vector<1x256x128xf32> to vector<256x128xf32>
    %swap3A_316 = vector.shape_cast %add3A_310 : vector<256x128xf32> to vector<1x256x128xf32>
    tpu.vector_store %arg7[%swap3A_311, %swap3A_312, %swap3A_313], %swap3A_316 {strides = array<i32>} : memref<1x2048x128xf32, #tpu.memory_space<vmem>>, vector<1x256x128xf32>,
    %get3A_317 = arith.constant 0 : index
    %get3A_318 = arith.constant 0 : index
    %get3A_319 = vector.load %arg6[%get3A_317, %get3A_318] : memref<128x64xf32, #tpu.memory_space<vmem>>, vector<128x64xf32>
    %dot_general3A_320 = arith.constant dense<0.000000e+00> : vector<256x64xf32>
    %dot_general3A_321 = tpu.matmul %add3A_310, %get3A_319, %dot_general3A_320 {dimension_numbers = #tpu.dot_dimension_numbers<[1], [0], [0], [1], [0, 0, 1, 1], [], []>, transpose_lhs_hint = false} : vector<256x128xf32>, vector<128x64xf32>, vector<256x64xf32> -> vector<256x64xf32>
    %sub3A_322 = vector.broadcast %get3A_1 : vector<1x64xf32> to vector<256x64xf32>
    %sub3A_323 = arith.subf %sub3A_322, %dot_general3A_321 : vector<256x64xf32>
    %mul3A_324 = arith.mulf %sub3A_323, %sub3A_323 : vector<256x64xf32>
    %dot_general3A_325 = arith.constant dense<0.000000e+00> : vector<256x8xf32>
    %dot_general3A_326 = tpu.matmul %mul3A_324, %convert_element_type3A_26, %dot_general3A_325 {dimension_numbers = #tpu.dot_dimension_numbers<[1], [0], [0], [1], [0, 0, 1, 1], [], []>, precision = #tpu.contract_precision<fp32>, transpose_lhs_hint = false} : vector<256x64xf32>, vector<64x8xf32>, vector<256x8xf32> -> vector<256x8xf32>
    %mul3A_327 = arith.constant -5.000000e-01 : f32
    %mul3A_328 = vector.broadcast %mul3A_327 : f32 to vector<256x8xf32>
    %mul3A_329 = arith.mulf %mul3A_328, %dot_general3A_326 : vector<256x8xf32>
    %sub3A_330 = arith.constant 7.62461901 : f32
    %sub3A_331 = vector.broadcast %sub3A_330 : f32 to vector<256x8xf32>
    %sub3A_332 = arith.subf %mul3A_329, %sub3A_331 : vector<256x8xf32>
    %get3A_333 = arith.index_cast %arg0 : i32 to index
    %get3A_334 = arith.constant 6 : index
    %get3A_335 = vector.load %arg4[%get3A_333, %get3A_334] : memref<32x8xf32, #tpu.memory_space<vmem>>, vector<1x1xf32>
    %add3A_336 = vector.broadcast %get3A_335 : vector<1x1xf32> to vector<256x8xf32>
    %add3A_337 = arith.addf %sub3A_332, %add3A_336 : vector<256x8xf32>
    %get3A_338 = arith.constant 0 : index
    %get3A_339 = arith.constant 1792 : index
    %get3A_340 = arith.constant 0 : index
    %get3A_341 = vector.load %arg1[%get3A_338, %get3A_339, %get3A_340] : memref<1x2048x128xf32, #tpu.memory_space<vmem>>, vector<1x256x128xf32>
    %get3A_342 = vector.shape_cast %get3A_341 : vector<1x256x128xf32> to vector<256x128xf32>
    %get3A_343 = arith.constant 7 : index
    %get3A_344 = arith.constant 0 : index
    %get3A_345 = arith.constant 0 : index
    %get3A_346 = vector.load %arg5[%get3A_343, %get3A_344, %get3A_345] : memref<8x128x128xf32, #tpu.memory_space<vmem>>, vector<1x128x128xf32>
    %get3A_347 = vector.shape_cast %get3A_346 : vector<1x128x128xf32> to vector<128x128xf32>
    %dot_general3A_348 = arith.constant dense<0.000000e+00> : vector<256x128xf32>
    %dot_general3A_349 = tpu.matmul %get3A_342, %get3A_347, %dot_general3A_348 {dimension_numbers = #tpu.dot_dimension_numbers<[1], [0], [0], [1], [0, 0, 1, 1], [], []>, transpose_lhs_hint = false} : vector<256x128xf32>, vector<128x128xf32>, vector<256x128xf32> -> vector<256x128xf32>
    %get3A_350 = arith.constant 0 : index
    %get3A_351 = arith.constant 1792 : index
    %get3A_352 = arith.constant 0 : index
    %get3A_353 = vector.load %arg2[%get3A_350, %get3A_351, %get3A_352] : memref<1x2048x128xf32, #tpu.memory_space<vmem>>, vector<1x256x128xf32>
    %get3A_354 = vector.shape_cast %get3A_353 : vector<1x256x128xf32> to vector<256x128xf32>
    %add3A_355 = arith.addf %dot_general3A_349, %get3A_354 : vector<256x128xf32>
    %swap3A_356 = arith.constant 0 : index
    %swap3A_357 = arith.constant 1792 : index
    %swap3A_358 = arith.constant 0 : index
    %swap3A_359 = vector.load %arg7[%swap3A_356, %swap3A_357, %swap3A_358] : memref<1x2048x128xf32, #tpu.memory_space<vmem>>, vector<1x256x128xf32>
    %swap3A_360 = vector.shape_cast %swap3A_359 : vector<1x256x128xf32> to vector<256x128xf32>
    %swap3A_361 = vector.shape_cast %add3A_355 : vector<256x128xf32> to vector<1x256x128xf32>
    tpu.vector_store %arg7[%swap3A_356, %swap3A_357, %swap3A_358], %swap3A_361 {strides = array<i32>} : memref<1x2048x128xf32, #tpu.memory_space<vmem>>, vector<1x256x128xf32>,
    %get3A_362 = arith.constant 0 : index
    %get3A_363 = arith.constant 0 : index
    %get3A_364 = vector.load %arg6[%get3A_362, %get3A_363] : memref<128x64xf32, #tpu.memory_space<vmem>>, vector<128x64xf32>
    %dot_general3A_365 = arith.constant dense<0.000000e+00> : vector<256x64xf32>
    %dot_general3A_366 = tpu.matmul %add3A_355, %get3A_364, %dot_general3A_365 {dimension_numbers = #tpu.dot_dimension_numbers<[1], [0], [0], [1], [0, 0, 1, 1], [], []>, transpose_lhs_hint = false} : vector<256x128xf32>, vector<128x64xf32>, vector<256x64xf32> -> vector<256x64xf32>
    %sub3A_367 = vector.broadcast %get3A_1 : vector<1x64xf32> to vector<256x64xf32>
    %sub3A_368 = arith.subf %sub3A_367, %dot_general3A_366 : vector<256x64xf32>
    %mul3A_369 = arith.mulf %sub3A_368, %sub3A_368 : vector<256x64xf32>
    %dot_general3A_370 = arith.constant dense<0.000000e+00> : vector<256x8xf32>
    %dot_general3A_371 = tpu.matmul %mul3A_369, %convert_element_type3A_26, %dot_general3A_370 {dimension_numbers = #tpu.dot_dimension_numbers<[1], [0], [0], [1], [0, 0, 1, 1], [], []>, precision = #tpu.contract_precision<fp32>, transpose_lhs_hint = false} : vector<256x64xf32>, vector<64x8xf32>, vector<256x8xf32> -> vector<256x8xf32>
    %mul3A_372 = arith.constant -5.000000e-01 : f32
    %mul3A_373 = vector.broadcast %mul3A_372 : f32 to vector<256x8xf32>
    %mul3A_374 = arith.mulf %mul3A_373, %dot_general3A_371 : vector<256x8xf32>
    %sub3A_375 = arith.constant 7.62461901 : f32
    %sub3A_376 = vector.broadcast %sub3A_375 : f32 to vector<256x8xf32>
    %sub3A_377 = arith.subf %mul3A_374, %sub3A_376 : vector<256x8xf32>
    %get3A_378 = arith.index_cast %arg0 : i32 to index
    %get3A_379 = arith.constant 7 : index
    %get3A_380 = vector.load %arg4[%get3A_378, %get3A_379] : memref<32x8xf32, #tpu.memory_space<vmem>>, vector<1x1xf32>
    %add3A_381 = vector.broadcast %get3A_380 : vector<1x1xf32> to vector<256x8xf32>
    %add3A_382 = arith.addf %sub3A_377, %add3A_381 : vector<256x8xf32>
    %concatenate3A = tpu.concatenate %add3A_67, %add3A_112, %add3A_157, %add3A_202, %add3A_247, %add3A_292, %add3A_337, %add3A_382 in 0 : vector<256x8xf32>, vector<256x8xf32>, vector<256x8xf32>, vector<256x8xf32>, vector<256x8xf32>, vector<256x8xf32>, vector<256x8xf32>, vector<256x8xf32> -> vector<2048x8xf32>
    %reduce_max3A = vector.shape_cast %concatenate3A : vector<2048x8xf32> to vector<1x2048x8xf32>
    %reduce_max3A_383 = arith.constant dense<0xFF800000> : vector<1xf32>
    %reduce_max3A_384 = vector.multi_reduction <maximumf>, %reduce_max3A, %reduce_max3A_383 [1, 2] : vector<1x2048x8xf32> to vector<1xf32>
    %reduce_max3A_385 = vector.shape_cast %reduce_max3A_384 : vector<1xf32> to vector<1x1x1xf32>
    %reduce_max3A_386 = vector.extract %reduce_max3A_385[0, 0, 0] : f32 from vector<1x1x1xf32>
    %sub3A_387 = vector.broadcast %reduce_max3A_386 : f32 to vector<2048x8xf32>
    %sub3A_388 = arith.subf %concatenate3A, %sub3A_387 : vector<2048x8xf32>
    %exp3A = math.exp %sub3A_388 : vector<2048x8xf32>
    %reduce_sum3A = vector.shape_cast %exp3A : vector<2048x8xf32> to vector<1x2048x8xf32>
    %reduce_sum3A_389 = arith.constant dense<0.000000e+00> : vector<1xf32>
    %reduce_sum3A_390 = vector.multi_reduction <add>, %reduce_sum3A, %reduce_sum3A_389 [1, 2] : vector<1x2048x8xf32> to vector<1xf32>
    %reduce_sum3A_391 = vector.shape_cast %reduce_sum3A_390 : vector<1xf32> to vector<1x1x1xf32>
    %reduce_sum3A_392 = vector.extract %reduce_sum3A_391[0, 0, 0] : f32 from vector<1x1x1xf32>
    %log3A = math.log %reduce_sum3A_392 : f32
    %add3A_393 = arith.addf %reduce_max3A_386, %log3A : f32
    %sub3A_394 = vector.broadcast %add3A_393 : f32 to vector<256x8xf32>
    %sub3A_395 = arith.subf %add3A_67, %sub3A_394 : vector<256x8xf32>
    %swap3A_396 = arith.constant 0 : index
    %swap3A_397 = arith.constant 0 : index
    %swap3A_398 = arith.constant 0 : index
    %swap3A_399 = vector.load %arg8[%swap3A_396, %swap3A_397, %swap3A_398] : memref<1x2048x8xf32, #tpu.memory_space<vmem>>, vector<1x256x8xf32>
    %swap3A_400 = vector.shape_cast %swap3A_399 : vector<1x256x8xf32> to vector<256x8xf32>
    %swap3A_401 = vector.shape_cast %sub3A_395 : vector<256x8xf32> to vector<1x256x8xf32>
    tpu.vector_store %arg8[%swap3A_396, %swap3A_397, %swap3A_398], %swap3A_401 {strides = array<i32>} : memref<1x2048x8xf32, #tpu.memory_space<vmem>>, vector<1x256x8xf32>,
    %sub3A_402 = vector.broadcast %add3A_393 : f32 to vector<256x8xf32>
    %sub3A_403 = arith.subf %add3A_112, %sub3A_402 : vector<256x8xf32>
    %swap3A_404 = arith.constant 0 : index
    %swap3A_405 = arith.constant 256 : index
    %swap3A_406 = arith.constant 0 : index
    %swap3A_407 = vector.load %arg8[%swap3A_404, %swap3A_405, %swap3A_406] : memref<1x2048x8xf32, #tpu.memory_space<vmem>>, vector<1x256x8xf32>
    %swap3A_408 = vector.shape_cast %swap3A_407 : vector<1x256x8xf32> to vector<256x8xf32>
    %swap3A_409 = vector.shape_cast %sub3A_403 : vector<256x8xf32> to vector<1x256x8xf32>
    tpu.vector_store %arg8[%swap3A_404, %swap3A_405, %swap3A_406], %swap3A_409 {strides = array<i32>} : memref<1x2048x8xf32, #tpu.memory_space<vmem>>, vector<1x256x8xf32>,
    %sub3A_410 = vector.broadcast %add3A_393 : f32 to vector<256x8xf32>
    %sub3A_411 = arith.subf %add3A_157, %sub3A_410 : vector<256x8xf32>
    %swap3A_412 = arith.constant 0 : index
    %swap3A_413 = arith.constant 512 : index
    %swap3A_414 = arith.constant 0 : index
    %swap3A_415 = vector.load %arg8[%swap3A_412, %swap3A_413, %swap3A_414] : memref<1x2048x8xf32, #tpu.memory_space<vmem>>, vector<1x256x8xf32>
    %swap3A_416 = vector.shape_cast %swap3A_415 : vector<1x256x8xf32> to vector<256x8xf32>
    %swap3A_417 = vector.shape_cast %sub3A_411 : vector<256x8xf32> to vector<1x256x8xf32>
    tpu.vector_store %arg8[%swap3A_412, %swap3A_413, %swap3A_414], %swap3A_417 {strides = array<i32>} : memref<1x2048x8xf32, #tpu.memory_space<vmem>>, vector<1x256x8xf32>,
    %sub3A_418 = vector.broadcast %add3A_393 : f32 to vector<256x8xf32>
    %sub3A_419 = arith.subf %add3A_202, %sub3A_418 : vector<256x8xf32>
    %swap3A_420 = arith.constant 0 : index
    %swap3A_421 = arith.constant 768 : index
    %swap3A_422 = arith.constant 0 : index
    %swap3A_423 = vector.load %arg8[%swap3A_420, %swap3A_421, %swap3A_422] : memref<1x2048x8xf32, #tpu.memory_space<vmem>>, vector<1x256x8xf32>
    %swap3A_424 = vector.shape_cast %swap3A_423 : vector<1x256x8xf32> to vector<256x8xf32>
    %swap3A_425 = vector.shape_cast %sub3A_419 : vector<256x8xf32> to vector<1x256x8xf32>
    tpu.vector_store %arg8[%swap3A_420, %swap3A_421, %swap3A_422], %swap3A_425 {strides = array<i32>} : memref<1x2048x8xf32, #tpu.memory_space<vmem>>, vector<1x256x8xf32>,
    %sub3A_426 = vector.broadcast %add3A_393 : f32 to vector<256x8xf32>
    %sub3A_427 = arith.subf %add3A_247, %sub3A_426 : vector<256x8xf32>
    %swap3A_428 = arith.constant 0 : index
    %swap3A_429 = arith.constant 1024 : index
    %swap3A_430 = arith.constant 0 : index
    %swap3A_431 = vector.load %arg8[%swap3A_428, %swap3A_429, %swap3A_430] : memref<1x2048x8xf32, #tpu.memory_space<vmem>>, vector<1x256x8xf32>
    %swap3A_432 = vector.shape_cast %swap3A_431 : vector<1x256x8xf32> to vector<256x8xf32>
    %swap3A_433 = vector.shape_cast %sub3A_427 : vector<256x8xf32> to vector<1x256x8xf32>
    tpu.vector_store %arg8[%swap3A_428, %swap3A_429, %swap3A_430], %swap3A_433 {strides = array<i32>} : memref<1x2048x8xf32, #tpu.memory_space<vmem>>, vector<1x256x8xf32>,
    %sub3A_434 = vector.broadcast %add3A_393 : f32 to vector<256x8xf32>
    %sub3A_435 = arith.subf %add3A_292, %sub3A_434 : vector<256x8xf32>
    %swap3A_436 = arith.constant 0 : index
    %swap3A_437 = arith.constant 1280 : index
    %swap3A_438 = arith.constant 0 : index
    %swap3A_439 = vector.load %arg8[%swap3A_436, %swap3A_437, %swap3A_438] : memref<1x2048x8xf32, #tpu.memory_space<vmem>>, vector<1x256x8xf32>
    %swap3A_440 = vector.shape_cast %swap3A_439 : vector<1x256x8xf32> to vector<256x8xf32>
    %swap3A_441 = vector.shape_cast %sub3A_435 : vector<256x8xf32> to vector<1x256x8xf32>
    tpu.vector_store %arg8[%swap3A_436, %swap3A_437, %swap3A_438], %swap3A_441 {strides = array<i32>} : memref<1x2048x8xf32, #tpu.memory_space<vmem>>, vector<1x256x8xf32>,
    %sub3A_442 = vector.broadcast %add3A_393 : f32 to vector<256x8xf32>
    %sub3A_443 = arith.subf %add3A_337, %sub3A_442 : vector<256x8xf32>
    %swap3A_444 = arith.constant 0 : index
    %swap3A_445 = arith.constant 1536 : index
    %swap3A_446 = arith.constant 0 : index
    %swap3A_447 = vector.load %arg8[%swap3A_444, %swap3A_445, %swap3A_446] : memref<1x2048x8xf32, #tpu.memory_space<vmem>>, vector<1x256x8xf32>
    %swap3A_448 = vector.shape_cast %swap3A_447 : vector<1x256x8xf32> to vector<256x8xf32>
    %swap3A_449 = vector.shape_cast %sub3A_443 : vector<256x8xf32> to vector<1x256x8xf32>
    tpu.vector_store %arg8[%swap3A_444, %swap3A_445, %swap3A_446], %swap3A_449 {strides = array<i32>} : memref<1x2048x8xf32, #tpu.memory_space<vmem>>, vector<1x256x8xf32>,
    %sub3A_450 = vector.broadcast %add3A_393 : f32 to vector<256x8xf32>
    %sub3A_451 = arith.subf %add3A_382, %sub3A_450 : vector<256x8xf32>
    %swap3A_452 = arith.constant 0 : index
    %swap3A_453 = arith.constant 1792 : index
    %swap3A_454 = arith.constant 0 : index
    %swap3A_455 = vector.load %arg8[%swap3A_452, %swap3A_453, %swap3A_454] : memref<1x2048x8xf32, #tpu.memory_space<vmem>>, vector<1x256x8xf32>
    %swap3A_456 = vector.shape_cast %swap3A_455 : vector<1x256x8xf32> to vector<256x8xf32>
    %swap3A_457 = vector.shape_cast %sub3A_451 : vector<256x8xf32> to vector<1x256x8xf32>
    tpu.vector_store %arg8[%swap3A_452, %swap3A_453, %swap3A_454], %swap3A_457 {strides = array<i32>} : memref<1x2048x8xf32, #tpu.memory_space<vmem>>, vector<1x256x8xf32>,
    return
  }
  func.func @transform_0(%arg0: i32) -> (i32, i32, i32) {
    %c0_i32 = arith.constant 0 : i32
    %c0_i32_0 = arith.constant 0 : i32
    %c0_i32_1 = arith.constant 0 : i32
    return %arg0, %c0_i32, %c0_i32_0 : i32, i32, i32
  }
  func.func @transform_1(%arg0: i32) -> (i32, i32, i32) {
    %c0_i32 = arith.constant 0 : i32
    %c0_i32_0 = arith.constant 0 : i32
    %c0_i32_1 = arith.constant 0 : i32
    return %arg0, %c0_i32, %c0_i32_0 : i32, i32, i32
  }
  func.func @transform_2(%arg0: i32) -> (i32, i32) {
    %c0_i32 = arith.constant 0 : i32
    %c0_i32_0 = arith.constant 0 : i32
    %c0_i32_1 = arith.constant 0 : i32
    return %c0_i32, %c0_i32_0 : i32, i32
  }
  func.func @transform_3(%arg0: i32) -> (i32, i32) {
    %c0_i32 = arith.constant 0 : i32
    %c0_i32_0 = arith.constant 0 : i32
    %c0_i32_1 = arith.constant 0 : i32
    return %c0_i32, %c0_i32_0 : i32, i32
  }
  func.func @transform_4(%arg0: i32) -> (i32, i32, i32) {
    %c0_i32 = arith.constant 0 : i32
    %c0_i32_0 = arith.constant 0 : i32
    %c0_i32_1 = arith.constant 0 : i32
    %c0_i32_2 = arith.constant 0 : i32
    return %c0_i32, %c0_i32_0, %c0_i32_1 : i32, i32, i32
  }
  func.func @transform_5(%arg0: i32) -> (i32, i32) {
    %c0_i32 = arith.constant 0 : i32
    %c0_i32_0 = arith.constant 0 : i32
    %c0_i32_1 = arith.constant 0 : i32
    return %c0_i32, %c0_i32_0 : i32, i32
  }
  func.func @transform_6(%arg0: i32) -> (i32, i32, i32) {
    %c0_i32 = arith.constant 0 : i32
    %c0_i32_0 = arith.constant 0 : i32
    %c0_i32_1 = arith.constant 0 : i32
    return %arg0, %c0_i32, %c0_i32_0 : i32, i32, i32
  }
  func.func @transform_7(%arg0: i32) -> (i32, i32, i32) {
    %c0_i32 = arith.constant 0 : i32
    %c0_i32_0 = arith.constant 0 : i32
    %c0_i32_1 = arith.constant 0 : i32
    return %arg0, %c0_i32, %c0_i32_0 : i32, i32, i32
  }
}

</mosaic_0001>

<sc_bundles>
// kernel: kernel.4.cloned.1.call-start
scs
__scs_entry_jumppad:
0x0: {  	(pc) =	sbr.rel $0x88, $3  }
0x1: {  	(tag) =	ssettag $0x0;
	lr =	simm.s32 $0x1  }
0x2: {  	[smem:$0x3F98] =	sst lr;
	_ =	strace $0xD0000000  }
0x3: {  	_ = 	snop  }
0x4: {  	_ = 	snop  }
0x5: {  	_ = 	snop  }
0x6: {  	_ = 	snop  }
0x7: {  	_ = 	snop  }
__scs_overlays_trampoline_lowered:
0x8: {  	[smem:$0x3FA7] =	sst s0  }
0x9: {  	[smem:$0x3FA8] =	sst s1  }
0xa: {  	[smem:$0x3FA9] =	sst s2  }
0xb: {  	[smem:$0x3FAA] =	sst s3  }
0xc: {  	[smem:$0x3FAB] =	sst s4  }
0xd: {  	[smem:$0x3FAC] =	sst s5  }
0xe: {  	[smem:$0x3FAD] =	sst s6  }
0xf: {  	[smem:$0x3FAE] =	sst s7  }
0x10: {  	[smem:$0x3FAF] =	sst s8  }
0x11: {  	[smem:$0x3FB0] =	sst s9;
	s0 =	simm.s32 @!p0 $0x0  }
0x12: {  	s1 =	sld [smem:$0x3F96];
	s0 =	simm.s32 @p0 $0x1  }
0x13: {  	[smem:$0x3FB1] =	sst s0;
	s0 =	simm.s32 @!p1 $0x0  }
0x14: {  	s2 =	sld [smem:$0x3F95];
	s0 =	simm.s32 @p1 $0x1  }
0x15: {  	[smem:$0x3FB2] =	sst s0;
	s0 =	simm.s32 @!p2 $0x0  }
0x16: {  	s3 =	sld [smem:$0x3FDB];
	s0 =	simm.s32 @p2 $0x1  }
0x17: {  	s4 =	simm.s32 $0x1BF5;
	[smem:$0x3FB4] =	sst s0  }
0x18: {  	s0 =	sld [smem:$0x3F97];
	_ =	swait.ge [sflag:s4], $0x0  }
0x19: {  	s7 =	sld [smem:$0x3F98]  }
0x1a: {  	s8 =	sadd.s32 $0xFFFFE003, lr  }
0x1b: {  	s9 =	sadd.s32 $0xFFFFFEF7, lr;
	s5 =	simm.s32 $0xFFFFFFFF;
	p2 =	slt.u32 s8, $0xFFFFF086  }
0x1c: {  	p1 =	slt.u32 s9, $0xF7A;
	s5 =	simm.s32 @!p2 $0x0  }
0x1d: {  	s5 =	simm.s32 @p1 $0x1;
	p0 =	seq.s32 s7, s2  }
0x1e: {  	s7 =	smul.u32 @!p0 $0xF7A, s2;
	p2 =	seq.s32 @!p0 s5, $0x0  }
0x1f: {  	s9 =	smul.u32 $0xF7A, s1;
	s8 =	simm.s32 @!p0 $0x1BF5;
	p2 =	por !p2, p0  }
0x20: {  	[sflag:s8] =	ssyncset.s32 @!p0 $0xFFFFF086;
	s6 =	sadd.s32 @!p0 s3, s7;
	s7 =	simm.s32 @!p0 $0x108  }
0x21: {  	s3 =	sadd.s32 s3, s9;
	s6 =	sadd.s32 @!p0 $0x88, s6;
	s7 =	simm.s32 @p2 $0x1082  }
0x22: {  	[simem:s7], [sflag:s8] =	dma.local @!p0 [hbm:s6], $0xF7A  }
0x23: {  	s9 =	sor.u32 $0xD0000000, s2;
	s6 =	simm.s32 $0x108;
	_ =	swait.ge @!p0 [sflag:s8], $0x0  }
0x24: {  	s3 =	sadd.s32 $0x88, s3;
	s6 =	simm.s32 @!p1 $0x1082;
	[sflag:s4] =	ssyncset.s32 $0xFFFFF086  }
0x25: {  	[simem:s6], [sflag:s4] =	dma.local [hbm:s3], $0xF7A  }
0x26: {  	[smem:$0x3F98] =	sst s1;
	(tag) =	ssettag s2;
	_ =	strace s9  }
0x27: {  	s1 =	sld [smem:$0x3FA8]  }
0x28: {  	s2 =	sld [smem:$0x3FA9]  }
0x29: {  	s4 =	sld [smem:$0x3FAB]  }
0x2a: {  	p0 =	seq.s32 s5, $0x0;
	s5 =	sld [smem:$0x3FAC]  }
0x2b: {  	s6 =	sld [smem:$0x3FAD]  }
0x2c: {  	s7 =	sld [smem:$0x3FAE]  }
0x2d: {  	s3 =	simm.s32 $0x108;
	s8 =	sld [smem:$0x3FAF]  }
0x2e: {  	s3 =	simm.s32 @!p0 $0x1082;
	s9 =	sld [smem:$0x3FB0]  }
0x2f: {  	lr =	sadd.s32 s0, s3;
	s0 =	sld [smem:$0x3FA7]  }
0x30: {  	s3 =	sld [smem:$0x3FAA]  }
0x31: {  	[smem:$0x3FB3] =	sst s10  }
0x32: {  	s10 =	sld [smem:$0x3FB1];
	_ =	sdelay $0x3  }
0x33: {  	p0 =	seq.s32 s10, $0x1;
	s10 =	sld [smem:$0x3FB3];
	_ =	sdelay $0x3  }
0x34: {  	[smem:$0x3FB3] =	sst s10  }
0x35: {  	s10 =	sld [smem:$0x3FB2];
	_ =	sdelay $0x3  }
0x36: {  	p1 =	seq.s32 s10, $0x1;
	s10 =	sld [smem:$0x3FB3];
	_ =	sdelay $0x3  }
0x37: {  	[smem:$0x3FB3] =	sst s10  }
0x38: {  	s10 =	sld [smem:$0x3FB4]  }
0x39: {  	_ = 	snop;
	(pc) =	sbr.ind lr, $3  }
0x3a: {  	_ = 	snop  }
0x3b: {  	_ = 	snop  }
0x3c: {  	p2 =	seq.s32 s10, $0x1;
	s10 =	sld [smem:$0x3FB3]  }
0x3d: {  	_ =	shalt  }
0x3e: {  	_ =	shalt  }
0x3f: {  	_ =	shalt  }
0x40: {  	_ =	shalt  }
0x41: {  	_ =	shalt  }
0x42: {  	_ =	shalt  }
0x43: {  	_ =	shalt  }
0x44: {  	_ =	shalt  }
0x45: {  	_ =	shalt  }
0x46: {  	_ =	shalt  }
0x47: {  	_ =	shalt  }
0x48: {  	_ =	shalt  }
0x49: {  	_ =	shalt  }
0x4a: {  	_ =	shalt  }
0x4b: {  	_ =	shalt  }
0x4c: {  	_ =	shalt  }
0x4d: {  	_ =	shalt  }
0x4e: {  	_ =	shalt  }
0x4f: {  	_ =	shalt  }
0x50: {  	_ =	shalt  }
0x51: {  	_ =	shalt  }
0x52: {  	_ =	shalt  }
0x53: {  	_ =	shalt  }
0x54: {  	_ =	shalt  }
0x55: {  	_ =	shalt  }
0x56: {  	_ =	shalt  }
0x57: {  	_ =	shalt  }
0x58: {  	_ =	shalt  }
0x59: {  	_ =	shalt  }
0x5a: {  	_ =	shalt  }
0x5b: {  	_ =	shalt  }
0x5c: {  	_ =	shalt  }
0x5d: {  	_ =	shalt  }
0x5e: {  	_ =	shalt  }
0x5f: {  	_ =	shalt  }
0x60: {  	_ =	shalt  }
0x61: {  	_ =	shalt  }
0x62: {  	_ =	shalt  }
0x63: {  	_ =	shalt  }
0x64: {  	_ =	shalt  }
0x65: {  	_ =	shalt  }
0x66: {  	_ =	shalt  }
0x67: {  	_ =	shalt  }
0x68: {  	_ =	shalt  }
0x69: {  	_ =	shalt  }
0x6a: {  	_ =	shalt  }
0x6b: {  	_ =	shalt  }
0x6c: {  	_ =	shalt  }
0x6d: {  	_ =	shalt  }
0x6e: {  	_ =	shalt  }
0x6f: {  	_ =	shalt  }
0x70: {  	_ =	shalt  }
0x71: {  	_ =	shalt  }
0x72: {  	_ =	shalt  }
0x73: {  	_ =	shalt  }
0x74: {  	_ =	shalt  }
0x75: {  	_ =	shalt  }
0x76: {  	_ =	shalt  }
0x77: {  	_ =	shalt  }
0x78: {  	_ =	shalt  }
0x79: {  	_ =	shalt  }
0x7a: {  	_ =	shalt  }
0x7b: {  	_ =	shalt  }
0x7c: {  	_ =	shalt  }
0x7d: {  	_ =	shalt  }
0x7e: {  	_ =	shalt  }
0x7f: {  	_ =	shalt  }
0x80: {  	_ =	shalt  }
0x81: {  	_ =	shalt  }
0x82: {  	_ =	shalt  }
0x83: {  	_ =	shalt  }
0x84: {  	_ =	shalt  }
0x85: {  	_ =	shalt  }
0x86: {  	_ =	shalt  }
0x87: {  	_ =	shalt  }
.Lfunc_end0:
.L_simem_size_0:
called_computation.2_lowered:
.L_overlay_start_0:
0x88: {  	s2 =	sld [smem:$0x3FD9]  }
0x89: {  	s3 =	sld [smem:$0x3FFE];
	_ =	sdelay $0x1  }
0x8a: {  	s1 =	srdreg.scid  }
0x8b: {  	s0 =	sand.u32 $0x1, s1  }
0x8c: {  	s14 =	sshll.u32 s0, $0xA;
	s2 =	sadd.s32 s3, s2  }
0x8d: {  	s2 =	sadd.s32 s2, s14  }
0x8e: {  	[smem:$0x3FBF] =	sst s2  }
0x8f: {  	_ = 	snop  }
0x90: {  	s2 =	sld [smem:$0x3FD0];
	_ =	sdelay $0x2  }
0x91: {  	s15 =	simm.s32 $0xA;
	s4 =	simm.s32 $0x10  }
0x92: {  	[smem:s4], [sflag:s15] =	dma.local [hbm:s2], $0x1  }
0x93: {  	_ =	swait.eq [sflag:s15], $0x1  }
0x94: {  	[sflag:s15] =	ssyncset.done $0x0  }
0x95: {  	s16 =	sld [smem:$0x10];
	[sflag:s15] =	ssyncadd.s32 $0xFFFFFFFF  }
0x96: {  	s17 =	sld [smem:$0x11];
	(tm) =	ssettm $0x1  }
0x97: {  	s18 =	sld [smem:$0x3FFB];
	_ =	sdelay $0x3  }
0x98: {  	_ =	strace s18  }
0x99: {  	s4 =	sld [smem:$0x3FFC];
	_ =	sdelay $0x3  }
0x9a: {  	_ =	strace s4  }
0x9b: {  	s4 =	sld [smem:$0x3FFD];
	_ =	sdelay $0x3  }
0x9c: {  	_ =	strace s4  }
0x9d: {  	_ =	strace $0x8FFFFFFF  }
0x9e: {  	s19 =	sld [smem:$0x3FDB];
	_ =	sdelay $0x1  }
0x9f: {  	s5 =	simm.s32 $_scs_section_size  }
0xa0: {  	s6 =	simm.s32 $_size__tile_overlayer_lowered;
	s7 =	simm.s32 $_tile_overlayer_lowered  }
0xa1: {  	s22 =	simm.s32 $0x1BFF;
	s21 =	sshll.u32 s7, $0x1;
	s4 =	sadd.s32 s5, s19  }
0xa2: {  	s8 =	simm.s32 $0x0;
	s20 =	sshll.u32 s6, $0x1;
	s6 =	sadd.s32 s21, s4  }
0xa3: {  	[timem:s8], [sflag:s22] =	dma.local [hbm:s6], s20  }
0xa4: {  	_ =	swait.ge [sflag:s22], s20  }
0xa5: {  	s5 =	ssub.s32 $0x0, s20;
	[sflag:s22] =	ssyncset.done $0x0  }
0xa6: {  	[sflag:s22] =	ssyncadd.s32 s5;
	_ =	sdelay $0x1  }
0xa7: {  	s23 =	simm.s32 $0x1B8B  }
0xa8: {  	_ =	swait.ge [sflag:s23], $0x1  }
0xa9: {  	[sflag:s23] =	ssyncset.done $0x0  }
0xaa: {  	s25 =	simm.s32 $0x1B8E;
	s24 =	sld [smem:$0x3FFE];
	[sflag:s23] =	ssyncadd.s32 $0xFFFFFFFF  }
0xab: {  	s26 =	simm.s32 $execute0_lowered;
	[smem:$0x3FD2] =	sst s25  }
0xac: {  	s6 =	sshll.u32 s26, $0x1;
	_ =	strace $0x80000049;
	[dreg:$0x1] =	wrdreg $0xFFFFFFFF  }
0xad: {  	s28 =	simm.s32 $_size_execute0_lowered;
	s4 =	sadd.s32 s4, s6;
	[dreg:$0x0] =	wrdreg $0x0  }
0xae: {  	s6 =	sshll.u32 s28, $0x1;
	[dreg:$0x2] =	wrdreg s4  }
0xaf: {  	[dreg:$0x3] =	wrdreg s6  }
0xb0: {  	[dreg:$0x4] =	wrdreg $0xC0  }
0xb1: {  	_ =	task [dreg:s8], $0x5FFFF  }
0xb2: {  	[dreg:$0x1] =	wrdreg $0xFFFFFFFF  }
0xb3: {  	[dreg:$0x0] =	wrdreg $0x60  }
0xb4: {  	[dreg:$0x2] =	wrdreg s16  }
0xb5: {  	[dreg:$0x3] =	wrdreg s17  }
0xb6: {  	[dreg:$0x4] =	wrdreg s24  }
0xb7: {  	[dreg:$0x5] =	wrdreg $0x9  }
0xb8: {  	_ =	task.clear_ibuf [dreg:s8], $0x6FFFF;
	_ =	strace $0x90000049  }
0xb9: {  	s29 =	simm.s32 $0x9;
	_ =	strace $0x8000004B  }
0xba: {  	_ =	swait.ge [sflag:s29], $0x1  }
0xbb: {  	[sflag:s29] =	ssyncadd.s32 $0xFFFFFFFF  }
0xbc: {  	_ =	strace $0x9000004B  }
0xbd: {  	_ =	sfence  }
0xbe: {  	s30 =	sld [smem:$0x0];
	_ =	sdelay $0x2  }
0xbf: {  	s31 =	sshll.u32 s1, $0xD;
	s1 =	sshrl.u32 s1, $0x2  }
0xc0: {  	s3 =	sand.u32 $0x4000, s31;
	s1 =	sadd.s32 s1, s30  }
0xc1: {  	s0 =	sor.u32 s3, s0;
	s1 =	sshll.u32 s1, $0x11  }
0xc2: {  	s0 =	sor.u32 s1, s0  }
0xc3: {  	s0 =	sadd.s32 $0x8F2B, s0  }
0xc4: {  	[sflag:s0] =	ssyncadd.remote.s32 $0x1  }
0xc5: {  	_ =	sfence.sel $0xFFFF  }
0xc6: {  	[dreg:$0x0] =	wrdreg $0xFFFFFFFF;
	(pc) =	sbr.abs _section_cstart, $3  }
0xc7: {  	[dreg:$0x1] =	wrdreg $0xFFFFFFFF  }
0xc8: {  	_ =	task.clear_ibuf [dreg:s8], $0x2FFFF;
	_ =	strace $0x9FFFFFFF  }
0xc9: {  	(tm) =	ssettm $0x7FFFFFFF  }
tec
execute0_lowered:
.L_overlay_start_1:
0x0: {  	(tag) =	ssettag $0x1  }
0x1: {  	s1 =	rddreg [dreg:$0x0]  }
0x2: {  	s4 =	rddreg [dreg:$0x1]  }
0x3: {  	s5 =	rddreg [dreg:$0x2]  }
0x4: {  	s0 =	rddreg [dreg:$0x3];
	s3 =	simm.s32 $0x0  }
0x5: {  	s2 =	stileid.u32;
	s6 =	srdreg.scid;
	s24 =	simm.s32 $0x4800  }
0x6: {  	s25 =	simm.s32 $0x5000;
	s26 =	simm.s32 $0x5800;
	s28 =	simm.s32 $0x6000  }
0x7: {  	s29 =	simm.s32 $0x6800;
	s30 =	simm.s32 $0x7000;
	s31 =	simm.s32 $0x7800  }
0x8: {  	s11 =	simm.s32 $0x8800;
	s12 =	simm.s32 $0x9000;
	s13 =	simm.s32 $0x9800  }
0x9: {  	s14 =	simm.s32 $0xA000;
	s15 =	simm.s32 $0xA800;
	[smem:$0x7FF] =	sst s3  }
0xa: {  	s16 =	simm.s32 $0xB000;
	_ =	strace $0x8000004A;
	[dreg:$0x4] =	wrdreg s24  }
0xb: {  	s17 =	simm.s32 $0xB800;
	s18 =	simm.s32 $0x1;
	[dreg:$0x5] =	wrdreg s25  }
0xc: {  	s19 =	simm.s32 $0x0;
	s7 =	sshll.u32 s2, $0x10;
	[dreg:$0x6] =	wrdreg s26  }
0xd: {  	s6 =	sand.u32 $0x1, s6;
	s9 =	sshll.u32 s2, $0xC;
	[dreg:$0x7] =	wrdreg s28  }
0xe: {  	s8 =	ssub.s32 $0x2, s6;
	s10 =	sshll.u32 s6, $0xB;
	[dreg:$0x8] =	wrdreg s29  }
0xf: {  	s7 =	sadd.s32 s7, s5;
	s6 =	sshll.u32 s6, $0xF;
	[dreg:$0x9] =	wrdreg s30  }
0x10: {  	[dreg:$0xa] =	wrdreg s31;
	s23 =	sshrl.u32 s8, $0x1;
	s9 =	sor.u32 s10, s9  }
0x11: {  	s6 =	sadd.s32 s6, s7;
	s7 =	simm.s32 $0x2;
	s10 =	simm.s32 $0x8000  }
0x12: {  	s5 =	ssub.s32 s8, s23;
	s4 =	sadd.s32 s4, s9;
	s6 =	sadd.s32 $0x80200, s6  }
0x13: {  	s8 =	simm.s32 $0x80;
	s9 =	simm.s32 $0x4000;
	s5 =	smax.u32 s5, $0x1  }
.LBB2_1:
0x14: {  	[tilespmem:s3], [sflag:$0x2] =	stream.linear.gather [hbm4b:s4+s3], $0x4000, $0x38;
	[tilespmem:$0xC000] =	vst v63  }
0x15: {  	_ =	swait.ge [sflag:s7], $0x4000  }
0x16: {  	[sflag:s7] =	ssyncset.done $0x0  }
0x17: {  	s20 =	simm.s32 $0x0;
	[sflag:s7] =	ssyncadd.s32 $0xFFFFC000  }
0x18: {  	[tilespmem:s9], [sflag:$0x1] =	stream.indirect.gather [hbm4b:s1+s8], $0x10, s20, s8, $0xb8;
	[tilespmem:$0xC000] =	vst v63  }
0x19: {  	s29 =	simm.s32 $0x80;
	s21 =	rddreg [dreg:$0x4]  }
0x1a: {  	[tilespmem:s21], [sflag:$0x1] =	stream.indirect.gather [hbm4b:s1+s8], $0x10, s29, s8, $0xb8;
	[tilespmem:$0xC000] =	vst v63  }
0x1b: {  	s31 =	simm.s32 $0x100;
	s22 =	rddreg [dreg:$0x5]  }
0x1c: {  	[tilespmem:s22], [sflag:$0x1] =	stream.indirect.gather [hbm4b:s1+s8], $0x10, s31, s8, $0xb8;
	[tilespmem:$0xC000] =	vst v63  }
0x1d: {  	s23 =	simm.s32 $0x180;
	s30 =	rddreg [dreg:$0x6]  }
0x1e: {  	[tilespmem:s30], [sflag:$0x1] =	stream.indirect.gather [hbm4b:s1+s8], $0x10, s23, s8, $0xb8;
	[tilespmem:$0xC000] =	vst v63  }
0x1f: {  	s26 =	simm.s32 $0x200;
	s24 =	rddreg [dreg:$0x7]  }
0x20: {  	[tilespmem:s24], [sflag:$0x1] =	stream.indirect.gather [hbm4b:s1+s8], $0x10, s26, s8, $0xb8;
	[tilespmem:$0xC000] =	vst v63  }
0x21: {  	s28 =	simm.s32 $0x280;
	s25 =	rddreg [dreg:$0x8]  }
0x22: {  	[tilespmem:s25], [sflag:$0x1] =	stream.indirect.gather [hbm4b:s1+s8], $0x10, s28, s8, $0xb8;
	[tilespmem:$0xC000] =	vst v63  }
0x23: {  	s29 =	rddreg [dreg:$0x9];
	s30 =	simm.s32 $0x300  }
0x24: {  	[tilespmem:s29], [sflag:$0x1] =	stream.indirect.gather [hbm4b:s1+s8], $0x10, s30, s8, $0xb8;
	[tilespmem:$0xC000] =	vst v63  }
0x25: {  	s31 =	rddreg [dreg:$0xa];
	s22 =	simm.s32 $0x380  }
0x26: {  	[tilespmem:s31], [sflag:$0x1] =	stream.indirect.gather [hbm4b:s1+s8], $0x10, s22, s8, $0xb8;
	[tilespmem:$0xC000] =	vst v63  }
0x27: {  	s23 =	simm.s32 $0x400  }
0x28: {  	[tilespmem:s10], [sflag:$0x1] =	stream.indirect.gather [hbm4b:s1+s8], $0x10, s23, s8, $0xb8;
	[tilespmem:$0xC000] =	vst v63  }
0x29: {  	s24 =	simm.s32 $0x480  }
0x2a: {  	[tilespmem:s11], [sflag:$0x1] =	stream.indirect.gather [hbm4b:s1+s8], $0x10, s24, s8, $0xb8;
	[tilespmem:$0xC000] =	vst v63  }
0x2b: {  	s25 =	simm.s32 $0x500  }
0x2c: {  	[tilespmem:s12], [sflag:$0x1] =	stream.indirect.gather [hbm4b:s1+s8], $0x10, s25, s8, $0xb8;
	[tilespmem:$0xC000] =	vst v63  }
0x2d: {  	s26 =	simm.s32 $0x580  }
0x2e: {  	[tilespmem:s13], [sflag:$0x1] =	stream.indirect.gather [hbm4b:s1+s8], $0x10, s26, s8, $0xb8;
	[tilespmem:$0xC000] =	vst v63  }
0x2f: {  	s28 =	simm.s32 $0x600  }
0x30: {  	[tilespmem:s14], [sflag:$0x1] =	stream.indirect.gather [hbm4b:s1+s8], $0x10, s28, s8, $0xb8;
	[tilespmem:$0xC000] =	vst v63  }
0x31: {  	s29 =	simm.s32 $0x680  }
0x32: {  	[tilespmem:s15], [sflag:$0x1] =	stream.indirect.gather [hbm4b:s1+s8], $0x10, s29, s8, $0xb8;
	[tilespmem:$0xC000] =	vst v63  }
0x33: {  	s30 =	simm.s32 $0x700  }
0x34: {  	[tilespmem:s16], [sflag:$0x1] =	stream.indirect.gather [hbm4b:s1+s8], $0x10, s30, s8, $0xb8;
	[tilespmem:$0xC000] =	vst v63  }
0x35: {  	s31 =	simm.s32 $0x780  }
0x36: {  	[tilespmem:s17], [sflag:$0x1] =	stream.indirect.gather [hbm4b:s1+s8], $0x10, s31, s8, $0xb8;
	[tilespmem:$0xC000] =	vst v63  }
0x37: {  	_ =	swait.ge [sflag:s18], $0x800  }
0x38: {  	[sflag:s18] =	ssyncset.done $0x0  }
0x39: {  	[sflag:s18] =	ssyncadd.s32 $0xFFFFF800  }
0x3a: {  	_ =	swait.ge [sflag:s18], $0x800  }
0x3b: {  	[sflag:s18] =	ssyncset.done $0x0  }
0x3c: {  	[sflag:s18] =	ssyncadd.s32 $0xFFFFF800  }
0x3d: {  	_ =	swait.ge [sflag:s18], $0x800  }
0x3e: {  	[sflag:s18] =	ssyncset.done $0x0  }
0x3f: {  	[sflag:s18] =	ssyncadd.s32 $0xFFFFF800  }
0x40: {  	_ =	swait.ge [sflag:s18], $0x800  }
0x41: {  	[sflag:s18] =	ssyncset.done $0x0  }
0x42: {  	[sflag:s18] =	ssyncadd.s32 $0xFFFFF800  }
0x43: {  	_ =	swait.ge [sflag:s18], $0x800  }
0x44: {  	[sflag:s18] =	ssyncset.done $0x0  }
0x45: {  	[sflag:s18] =	ssyncadd.s32 $0xFFFFF800  }
0x46: {  	_ =	swait.ge [sflag:s18], $0x800  }
0x47: {  	[sflag:s18] =	ssyncset.done $0x0  }
0x48: {  	[sflag:s18] =	ssyncadd.s32 $0xFFFFF800  }
0x49: {  	_ =	swait.ge [sflag:s18], $0x800  }
0x4a: {  	[sflag:s18] =	ssyncset.done $0x0  }
0x4b: {  	[sflag:s18] =	ssyncadd.s32 $0xFFFFF800  }
0x4c: {  	_ =	swait.ge [sflag:s18], $0x800  }
0x4d: {  	[sflag:s18] =	ssyncset.done $0x0  }
0x4e: {  	[sflag:s18] =	ssyncadd.s32 $0xFFFFF800  }
0x4f: {  	_ =	swait.ge [sflag:s18], $0x800  }
0x50: {  	[sflag:s18] =	ssyncset.done $0x0  }
0x51: {  	[sflag:s18] =	ssyncadd.s32 $0xFFFFF800  }
0x52: {  	_ =	swait.ge [sflag:s18], $0x800  }
0x53: {  	[sflag:s18] =	ssyncset.done $0x0  }
0x54: {  	[sflag:s18] =	ssyncadd.s32 $0xFFFFF800  }
0x55: {  	_ =	swait.ge [sflag:s18], $0x800  }
0x56: {  	[sflag:s18] =	ssyncset.done $0x0  }
0x57: {  	[sflag:s18] =	ssyncadd.s32 $0xFFFFF800  }
0x58: {  	_ =	swait.ge [sflag:s18], $0x800  }
0x59: {  	[sflag:s18] =	ssyncset.done $0x0  }
0x5a: {  	[sflag:s18] =	ssyncadd.s32 $0xFFFFF800  }
0x5b: {  	_ =	swait.ge [sflag:s18], $0x800  }
0x5c: {  	[sflag:s18] =	ssyncset.done $0x0  }
0x5d: {  	[sflag:s18] =	ssyncadd.s32 $0xFFFFF800  }
0x5e: {  	_ =	swait.ge [sflag:s18], $0x800  }
0x5f: {  	[sflag:s18] =	ssyncset.done $0x0  }
0x60: {  	[sflag:s18] =	ssyncadd.s32 $0xFFFFF800  }
0x61: {  	_ =	swait.ge [sflag:s18], $0x800  }
0x62: {  	[sflag:s18] =	ssyncset.done $0x0  }
0x63: {  	[sflag:s18] =	ssyncadd.s32 $0xFFFFF800  }
0x64: {  	_ =	swait.ge [sflag:s18], $0x800  }
0x65: {  	[sflag:s18] =	ssyncset.done $0x0  }
0x66: {  	s20 =	sadd.s32 $0x1000, s6;
	[sflag:s18] =	ssyncadd.s32 $0xFFFFF800  }
0x67: {  	[hbm4b:s6+s3] =	stream.linear.scatter [tilespmem:s9], [sflag:$0x2], $0x8000, $0x38;
	[tilespmem:$0xC000] =	vst v63  }
0x68: {  	s21 =	simm.s32 $0x2000;
	s22 =	simm.s32 $0x4000;
	_ =	swait.ge [sflag:s7], $0x8000  }
.LBB2_2:
0x69: {  	[sflag:s7] =	ssyncset.done $0x0  }
0x6a: {  	s23 =	sshra.s32 s21, $0x2;
	[sflag:s7] =	ssyncadd.s32 $0xFFFF8000  }
0x6b: {  	[tilespmem:s9], [sflag:$0x1] =	stream.indirect.gather [hbm4b:s1+s8], $0x10, s23, s8, $0xb8;
	[tilespmem:$0xC000] =	vst v63  }
0x6c: {  	s24 =	rddreg [dreg:$0x4];
	s25 =	sadd.s32 $0x80, s23  }
0x6d: {  	[tilespmem:s24], [sflag:$0x1] =	stream.indirect.gather [hbm4b:s1+s8], $0x10, s25, s8, $0xb8;
	[tilespmem:$0xC000] =	vst v63  }
0x6e: {  	s28 =	rddreg [dreg:$0x5];
	s30 =	sadd.s32 $0x100, s23  }
0x6f: {  	[tilespmem:s28], [sflag:$0x1] =	stream.indirect.gather [hbm4b:s1+s8], $0x10, s30, s8, $0xb8;
	[tilespmem:$0xC000] =	vst v63  }
0x70: {  	s26 =	rddreg [dreg:$0x6];
	s31 =	sadd.s32 $0x180, s23  }
0x71: {  	[tilespmem:s26], [sflag:$0x1] =	stream.indirect.gather [hbm4b:s1+s8], $0x10, s31, s8, $0xb8;
	[tilespmem:$0xC000] =	vst v63  }
0x72: {  	s24 =	sadd.s32 $0x200, s23;
	s30 =	rddreg [dreg:$0x7]  }
0x73: {  	[tilespmem:s30], [sflag:$0x1] =	stream.indirect.gather [hbm4b:s1+s8], $0x10, s24, s8, $0xb8;
	[tilespmem:$0xC000] =	vst v63  }
0x74: {  	s29 =	rddreg [dreg:$0x8];
	s31 =	sadd.s32 $0x280, s23  }
0x75: {  	[tilespmem:s29], [sflag:$0x1] =	stream.indirect.gather [hbm4b:s1+s8], $0x10, s31, s8, $0xb8;
	[tilespmem:$0xC000] =	vst v63  }
0x76: {  	s26 =	rddreg [dreg:$0x9];
	s30 =	sadd.s32 $0x300, s23  }
0x77: {  	[tilespmem:s26], [sflag:$0x1] =	stream.indirect.gather [hbm4b:s1+s8], $0x10, s30, s8, $0xb8;
	[tilespmem:$0xC000] =	vst v63  }
0x78: {  	s31 =	sadd.s32 $0x380, s23;
	s29 =	rddreg [dreg:$0xa]  }
0x79: {  	[tilespmem:s29], [sflag:$0x1] =	stream.indirect.gather [hbm4b:s1+s8], $0x10, s31, s8, $0xb8;
	[tilespmem:$0xC000] =	vst v63  }
0x7a: {  	s30 =	sadd.s32 $0x400, s23  }
0x7b: {  	[tilespmem:s10], [sflag:$0x1] =	stream.indirect.gather [hbm4b:s1+s8], $0x10, s30, s8, $0xb8;
	[tilespmem:$0xC000] =	vst v63  }
0x7c: {  	s31 =	sadd.s32 $0x480, s23  }
0x7d: {  	[tilespmem:s11], [sflag:$0x1] =	stream.indirect.gather [hbm4b:s1+s8], $0x10, s31, s8, $0xb8;
	[tilespmem:$0xC000] =	vst v63  }
0x7e: {  	s26 =	sadd.s32 $0x500, s23  }
0x7f: {  	[tilespmem:s12], [sflag:$0x1] =	stream.indirect.gather [hbm4b:s1+s8], $0x10, s26, s8, $0xb8;
	[tilespmem:$0xC000] =	vst v63  }
0x80: {  	s28 =	sadd.s32 $0x580, s23  }
0x81: {  	[tilespmem:s13], [sflag:$0x1] =	stream.indirect.gather [hbm4b:s1+s8], $0x10, s28, s8, $0xb8;
	[tilespmem:$0xC000] =	vst v63  }
0x82: {  	s29 =	sadd.s32 $0x600, s23  }
0x83: {  	[tilespmem:s14], [sflag:$0x1] =	stream.indirect.gather [hbm4b:s1+s8], $0x10, s29, s8, $0xb8;
	[tilespmem:$0xC000] =	vst v63  }
0x84: {  	s30 =	sadd.s32 $0x680, s23  }
0x85: {  	[tilespmem:s15], [sflag:$0x1] =	stream.indirect.gather [hbm4b:s1+s8], $0x10, s30, s8, $0xb8;
	[tilespmem:$0xC000] =	vst v63  }
0x86: {  	s31 =	sadd.s32 $0x700, s23  }
0x87: {  	[tilespmem:s16], [sflag:$0x1] =	stream.indirect.gather [hbm4b:s1+s8], $0x10, s31, s8, $0xb8;
	[tilespmem:$0xC000] =	vst v63  }
0x88: {  	s23 =	sadd.s32 $0x780, s23  }
0x89: {  	[tilespmem:s17], [sflag:$0x1] =	stream.indirect.gather [hbm4b:s1+s8], $0x10, s23, s8, $0xb8;
	[tilespmem:$0xC000] =	vst v63  }
0x8a: {  	_ =	swait.ge [sflag:s18], $0x800  }
0x8b: {  	[sflag:s18] =	ssyncset.done $0x0  }
0x8c: {  	[sflag:s18] =	ssyncadd.s32 $0xFFFFF800  }
0x8d: {  	_ =	swait.ge [sflag:s18], $0x800  }
0x8e: {  	[sflag:s18] =	ssyncset.done $0x0  }
0x8f: {  	[sflag:s18] =	ssyncadd.s32 $0xFFFFF800  }
0x90: {  	_ =	swait.ge [sflag:s18], $0x800  }
0x91: {  	[sflag:s18] =	ssyncset.done $0x0  }
0x92: {  	[sflag:s18] =	ssyncadd.s32 $0xFFFFF800  }
0x93: {  	_ =	swait.ge [sflag:s18], $0x800  }
0x94: {  	[sflag:s18] =	ssyncset.done $0x0  }
0x95: {  	[sflag:s18] =	ssyncadd.s32 $0xFFFFF800  }
0x96: {  	_ =	swait.ge [sflag:s18], $0x800  }
0x97: {  	[sflag:s18] =	ssyncset.done $0x0  }
0x98: {  	[sflag:s18] =	ssyncadd.s32 $0xFFFFF800  }
0x99: {  	_ =	swait.ge [sflag:s18], $0x800  }
0x9a: {  	[sflag:s18] =	ssyncset.done $0x0  }
0x9b: {  	[sflag:s18] =	ssyncadd.s32 $0xFFFFF800  }
0x9c: {  	_ =	swait.ge [sflag:s18], $0x800  }
0x9d: {  	[sflag:s18] =	ssyncset.done $0x0  }
0x9e: {  	[sflag:s18] =	ssyncadd.s32 $0xFFFFF800  }
0x9f: {  	_ =	swait.ge [sflag:s18], $0x800  }
0xa0: {  	[sflag:s18] =	ssyncset.done $0x0  }
0xa1: {  	[sflag:s18] =	ssyncadd.s32 $0xFFFFF800  }
0xa2: {  	_ =	swait.ge [sflag:s18], $0x800  }
0xa3: {  	[sflag:s18] =	ssyncset.done $0x0  }
0xa4: {  	[sflag:s18] =	ssyncadd.s32 $0xFFFFF800  }
0xa5: {  	_ =	swait.ge [sflag:s18], $0x800  }
0xa6: {  	[sflag:s18] =	ssyncset.done $0x0  }
0xa7: {  	[sflag:s18] =	ssyncadd.s32 $0xFFFFF800  }
0xa8: {  	_ =	swait.ge [sflag:s18], $0x800  }
0xa9: {  	[sflag:s18] =	ssyncset.done $0x0  }
0xaa: {  	[sflag:s18] =	ssyncadd.s32 $0xFFFFF800  }
0xab: {  	_ =	swait.ge [sflag:s18], $0x800  }
0xac: {  	[sflag:s18] =	ssyncset.done $0x0  }
0xad: {  	[sflag:s18] =	ssyncadd.s32 $0xFFFFF800  }
0xae: {  	_ =	swait.ge [sflag:s18], $0x800  }
0xaf: {  	[sflag:s18] =	ssyncset.done $0x0  }
0xb0: {  	[sflag:s18] =	ssyncadd.s32 $0xFFFFF800  }
0xb1: {  	_ =	swait.ge [sflag:s18], $0x800  }
0xb2: {  	[sflag:s18] =	ssyncset.done $0x0  }
0xb3: {  	[sflag:s18] =	ssyncadd.s32 $0xFFFFF800  }
0xb4: {  	_ =	swait.ge [sflag:s18], $0x800  }
0xb5: {  	[sflag:s18] =	ssyncset.done $0x0  }
0xb6: {  	p0 =	sne.s32 s22, $0xE000;
	[sflag:s18] =	ssyncadd.s32 $0xFFFFF800  }
.Ltmp0:
0xb7: {  	_ =	swait.ge [sflag:s18], $0x800;
	(pc) =	sbr.rel @p0 .LBB2_2-.Ltmp0, $4  }
0xb8: {  	[sflag:s18] =	ssyncset.done $0x0  }
0xb9: {  	s21 =	smov.u32 s22;
	[sflag:s18] =	ssyncadd.s32 $0xFFFFF800  }
0xba: {  	[hbm4b:s20+s3] =	stream.linear.scatter [tilespmem:s9], [sflag:$0x2], $0x8000, $0x38;
	[tilespmem:$0xC000] =	vst v63  }
0xbb: {  	s22 =	sadd.s32 $0x2000, s22;
	s20 =	sadd.s32 $0x1000, s20;
	_ =	swait.ge [sflag:s7], $0x8000  }
0xbc: {  	[sflag:s7] =	ssyncset.done $0x0  }
0xbd: {  	s21 =	sshra.s32 s21, $0x2;
	[sflag:s7] =	ssyncadd.s32 $0xFFFF8000  }
0xbe: {  	[tilespmem:s9], [sflag:$0x1] =	stream.indirect.gather [hbm4b:s1+s8], $0x10, s21, s8, $0xb8;
	[tilespmem:$0xC000] =	vst v63  }
0xbf: {  	s22 =	rddreg [dreg:$0x4];
	s23 =	sadd.s32 $0x80, s21  }
0xc0: {  	[tilespmem:s22], [sflag:$0x1] =	stream.indirect.gather [hbm4b:s1+s8], $0x10, s23, s8, $0xb8;
	[tilespmem:$0xC000] =	vst v63  }
0xc1: {  	s24 =	rddreg [dreg:$0x5];
	s28 =	sadd.s32 $0x100, s21  }
0xc2: {  	[tilespmem:s24], [sflag:$0x1] =	stream.indirect.gather [hbm4b:s1+s8], $0x10, s28, s8, $0xb8;
	[tilespmem:$0xC000] =	vst v63  }
0xc3: {  	s26 =	rddreg [dreg:$0x6];
	s29 =	sadd.s32 $0x180, s21  }
0xc4: {  	[tilespmem:s26], [sflag:$0x1] =	stream.indirect.gather [hbm4b:s1+s8], $0x10, s29, s8, $0xb8;
	[tilespmem:$0xC000] =	vst v63  }
0xc5: {  	s30 =	rddreg [dreg:$0x7];
	s25 =	sadd.s32 $0x200, s21  }
0xc6: {  	[tilespmem:s30], [sflag:$0x1] =	stream.indirect.gather [hbm4b:s1+s8], $0x10, s25, s8, $0xb8;
	[tilespmem:$0xC000] =	vst v63  }
0xc7: {  	s31 =	rddreg [dreg:$0x8];
	s26 =	sadd.s32 $0x280, s21  }
0xc8: {  	[tilespmem:s31], [sflag:$0x1] =	stream.indirect.gather [hbm4b:s1+s8], $0x10, s26, s8, $0xb8;
	[tilespmem:$0xC000] =	vst v63  }
0xc9: {  	s28 =	rddreg [dreg:$0x9];
	s29 =	sadd.s32 $0x300, s21  }
0xca: {  	[tilespmem:s28], [sflag:$0x1] =	stream.indirect.gather [hbm4b:s1+s8], $0x10, s29, s8, $0xb8;
	[tilespmem:$0xC000] =	vst v63  }
0xcb: {  	s30 =	rddreg [dreg:$0xa];
	s31 =	sadd.s32 $0x380, s21  }
0xcc: {  	[tilespmem:s30], [sflag:$0x1] =	stream.indirect.gather [hbm4b:s1+s8], $0x10, s31, s8, $0xb8;
	[tilespmem:$0xC000] =	vst v63  }
0xcd: {  	s24 =	sadd.s32 $0x400, s21  }
0xce: {  	[tilespmem:s10], [sflag:$0x1] =	stream.indirect.gather [hbm4b:s1+s8], $0x10, s24, s8, $0xb8;
	[tilespmem:$0xC000] =	vst v63  }
0xcf: {  	s25 =	sadd.s32 $0x480, s21  }
0xd0: {  	[tilespmem:s11], [sflag:$0x1] =	stream.indirect.gather [hbm4b:s1+s8], $0x10, s25, s8, $0xb8;
	[tilespmem:$0xC000] =	vst v63  }
0xd1: {  	s26 =	sadd.s32 $0x500, s21  }
0xd2: {  	[tilespmem:s12], [sflag:$0x1] =	stream.indirect.gather [hbm4b:s1+s8], $0x10, s26, s8, $0xb8;
	[tilespmem:$0xC000] =	vst v63  }
0xd3: {  	s28 =	sadd.s32 $0x580, s21  }
0xd4: {  	[tilespmem:s13], [sflag:$0x1] =	stream.indirect.gather [hbm4b:s1+s8], $0x10, s28, s8, $0xb8;
	[tilespmem:$0xC000] =	vst v63  }
0xd5: {  	s29 =	sadd.s32 $0x600, s21  }
0xd6: {  	[tilespmem:s14], [sflag:$0x1] =	stream.indirect.gather [hbm4b:s1+s8], $0x10, s29, s8, $0xb8;
	[tilespmem:$0xC000] =	vst v63  }
0xd7: {  	s30 =	sadd.s32 $0x680, s21  }
0xd8: {  	[tilespmem:s15], [sflag:$0x1] =	stream.indirect.gather [hbm4b:s1+s8], $0x10, s30, s8, $0xb8;
	[tilespmem:$0xC000] =	vst v63  }
0xd9: {  	s31 =	sadd.s32 $0x700, s21  }
0xda: {  	[tilespmem:s16], [sflag:$0x1] =	stream.indirect.gather [hbm4b:s1+s8], $0x10, s31, s8, $0xb8;
	[tilespmem:$0xC000] =	vst v63  }
0xdb: {  	s21 =	sadd.s32 $0x780, s21  }
0xdc: {  	[tilespmem:s17], [sflag:$0x1] =	stream.indirect.gather [hbm4b:s1+s8], $0x10, s21, s8, $0xb8;
	[tilespmem:$0xC000] =	vst v63  }
0xdd: {  	_ =	swait.ge [sflag:s18], $0x800  }
0xde: {  	[sflag:s18] =	ssyncset.done $0x0  }
0xdf: {  	[sflag:s18] =	ssyncadd.s32 $0xFFFFF800  }
0xe0: {  	_ =	swait.ge [sflag:s18], $0x800  }
0xe1: {  	[sflag:s18] =	ssyncset.done $0x0  }
0xe2: {  	[sflag:s18] =	ssyncadd.s32 $0xFFFFF800  }
0xe3: {  	_ =	swait.ge [sflag:s18], $0x800  }
0xe4: {  	[sflag:s18] =	ssyncset.done $0x0  }
0xe5: {  	[sflag:s18] =	ssyncadd.s32 $0xFFFFF800  }
0xe6: {  	_ =	swait.ge [sflag:s18], $0x800  }
0xe7: {  	[sflag:s18] =	ssyncset.done $0x0  }
0xe8: {  	[sflag:s18] =	ssyncadd.s32 $0xFFFFF800  }
0xe9: {  	_ =	swait.ge [sflag:s18], $0x800  }
0xea: {  	[sflag:s18] =	ssyncset.done $0x0  }
0xeb: {  	[sflag:s18] =	ssyncadd.s32 $0xFFFFF800  }
0xec: {  	_ =	swait.ge [sflag:s18], $0x800  }
0xed: {  	[sflag:s18] =	ssyncset.done $0x0  }
0xee: {  	[sflag:s18] =	ssyncadd.s32 $0xFFFFF800  }
0xef: {  	_ =	swait.ge [sflag:s18], $0x800  }
0xf0: {  	[sflag:s18] =	ssyncset.done $0x0  }
0xf1: {  	[sflag:s18] =	ssyncadd.s32 $0xFFFFF800  }
0xf2: {  	_ =	swait.ge [sflag:s18], $0x800  }
0xf3: {  	[sflag:s18] =	ssyncset.done $0x0  }
0xf4: {  	[sflag:s18] =	ssyncadd.s32 $0xFFFFF800  }
0xf5: {  	_ =	swait.ge [sflag:s18], $0x800  }
0xf6: {  	[sflag:s18] =	ssyncset.done $0x0  }
0xf7: {  	[sflag:s18] =	ssyncadd.s32 $0xFFFFF800  }
0xf8: {  	_ =	swait.ge [sflag:s18], $0x800  }
0xf9: {  	[sflag:s18] =	ssyncset.done $0x0  }
0xfa: {  	[sflag:s18] =	ssyncadd.s32 $0xFFFFF800  }
0xfb: {  	_ =	swait.ge [sflag:s18], $0x800  }
0xfc: {  	[sflag:s18] =	ssyncset.done $0x0  }
0xfd: {  	[sflag:s18] =	ssyncadd.s32 $0xFFFFF800  }
0xfe: {  	_ =	swait.ge [sflag:s18], $0x800  }
0xff: {  	[sflag:s18] =	ssyncset.done $0x0  }
0x100: {  	[sflag:s18] =	ssyncadd.s32 $0xFFFFF800  }
0x101: {  	_ =	swait.ge [sflag:s18], $0x800  }
0x102: {  	[sflag:s18] =	ssyncset.done $0x0  }
0x103: {  	[sflag:s18] =	ssyncadd.s32 $0xFFFFF800  }
0x104: {  	_ =	swait.ge [sflag:s18], $0x800  }
0x105: {  	[sflag:s18] =	ssyncset.done $0x0  }
0x106: {  	[sflag:s18] =	ssyncadd.s32 $0xFFFFF800  }
0x107: {  	_ =	swait.ge [sflag:s18], $0x800  }
0x108: {  	[sflag:s18] =	ssyncset.done $0x0  }
0x109: {  	[sflag:s18] =	ssyncadd.s32 $0xFFFFF800  }
0x10a: {  	s19 =	sadd.s32 $0x1, s19;
	_ =	swait.ge [sflag:s18], $0x800  }
0x10b: {  	p0 =	sne.s32 s19, s5;
	[sflag:s18] =	ssyncset.done $0x0  }
.Ltmp1:
0x10c: {  	[sflag:s18] =	ssyncadd.s32 $0xFFFFF800;
	(pc) =	sbr.rel @p0 .LBB2_1-.Ltmp1, $4  }
0x10d: {  	[hbm4b:s20+s3] =	stream.linear.scatter [tilespmem:s9], [sflag:$0x2], $0x8000, $0x38;
	[tilespmem:$0xC000] =	vst v63  }
0x10e: {  	_ =	swait.ge [sflag:s7], $0x8000  }
0x10f: {  	[sflag:s7] =	ssyncset.done $0x0  }
0x110: {  	[sflag:s7] =	ssyncadd.s32 $0xFFFF8000  }
0x111: {  	_ =	sfence.sel $0x180000  }
0x112: {  	[bflag:$0x0] =	sbarrier.arrive $0xFFFF  }
0x113: {  	p0 =	sne.s32 s2, $0x0;
	_ =	strace $0x9000004A  }
0x114: {  	s0 =	sadd.s32 @!p0 $0x100000, s0;
	[bflag:$0x2] =	sbarrier.arrive $0xFFFF  }
0x115: {  	[sflag:s0] =	ssyncadd.tile.s32 @!p0 $0x1;
	_ =	shalt  }
.Lfunc_end2:
_tile_overlayer_lowered:
.L_overlay_start_2:
0x116: {  	(tag) =	ssettag $0x2  }
0x117: {  	s0 =	rddreg [dreg:$0x0];
	s2 =	stileid.u32  }
0x118: {  	s1 =	rddreg [dreg:$0x1];
	p0 =	sne.s32 s2, $0x0  }
0x119: {  	s3 =	rddreg [dreg:$0x2];
	[bflag:$0x3] =	sbarrier.arrive $0xFFFF;
	s2 =	simm.s32 @!p0 $0x1C02  }
0x11a: {  	[timem:s3], [sflag:s2] =	dma.local @!p0 [hbm:s0], s1  }
0x11b: {  	s0 =	simm.s32 @!p0 $0x2  }
0x11c: {  	_ =	swait.ge @!p0 [sflag:s0], s1  }
0x11d: {  	s1 =	ssub.s32 @!p0 $0x0, s1;
	[sflag:s0] =	ssyncset.done @!p0 $0x0  }
0x11e: {  	[sflag:s0] =	ssyncadd.s32 @!p0 s1  }
0x11f: {  	[bflag:$0x3] =	sbarrier.arrive $0xFFFF  }
0x120: {  	_ =	shalt  }

// kernel: scatter_offload_async_start
scs
__scs_entry_jumppad:
0x0: {  	(pc) =	sbr.rel $0x88, $3  }
0x1: {  	(tag) =	ssettag $0x0;
	lr =	simm.s32 $0x1  }
0x2: {  	[smem:$0x3F98] =	sst lr;
	_ =	strace $0xD0000000  }
0x3: {  	_ = 	snop  }
0x4: {  	_ = 	snop  }
0x5: {  	_ = 	snop  }
0x6: {  	_ = 	snop  }
0x7: {  	_ = 	snop  }
__scs_overlays_trampoline_lowered:
0x8: {  	[smem:$0x3FA7] =	sst s0  }
0x9: {  	[smem:$0x3FA8] =	sst s1  }
0xa: {  	[smem:$0x3FA9] =	sst s2  }
0xb: {  	[smem:$0x3FAA] =	sst s3  }
0xc: {  	[smem:$0x3FAB] =	sst s4  }
0xd: {  	[smem:$0x3FAC] =	sst s5  }
0xe: {  	[smem:$0x3FAD] =	sst s6  }
0xf: {  	[smem:$0x3FAE] =	sst s7  }
0x10: {  	[smem:$0x3FAF] =	sst s8  }
0x11: {  	[smem:$0x3FB0] =	sst s9;
	s0 =	simm.s32 @!p0 $0x0  }
0x12: {  	s1 =	sld [smem:$0x3F96];
	s0 =	simm.s32 @p0 $0x1  }
0x13: {  	[smem:$0x3FB1] =	sst s0;
	s0 =	simm.s32 @!p1 $0x0  }
0x14: {  	s2 =	sld [smem:$0x3F95];
	s0 =	simm.s32 @p1 $0x1  }
0x15: {  	[smem:$0x3FB2] =	sst s0;
	s0 =	simm.s32 @!p2 $0x0  }
0x16: {  	s3 =	sld [smem:$0x3FDB];
	s0 =	simm.s32 @p2 $0x1  }
0x17: {  	s4 =	simm.s32 $0x1BF5;
	[smem:$0x3FB4] =	sst s0  }
0x18: {  	s0 =	sld [smem:$0x3F97];
	_ =	swait.ge [sflag:s4], $0x0  }
0x19: {  	s7 =	sld [smem:$0x3F98]  }
0x1a: {  	s8 =	sadd.s32 $0xFFFFE003, lr  }
0x1b: {  	s9 =	sadd.s32 $0xFFFFFEF7, lr;
	s5 =	simm.s32 $0xFFFFFFFF;
	p2 =	slt.u32 s8, $0xFFFFF086  }
0x1c: {  	p1 =	slt.u32 s9, $0xF7A;
	s5 =	simm.s32 @!p2 $0x0  }
0x1d: {  	s5 =	simm.s32 @p1 $0x1;
	p0 =	seq.s32 s7, s2  }
0x1e: {  	s7 =	smul.u32 @!p0 $0xF7A, s2;
	p2 =	seq.s32 @!p0 s5, $0x0  }
0x1f: {  	s9 =	smul.u32 $0xF7A, s1;
	s8 =	simm.s32 @!p0 $0x1BF5;
	p2 =	por !p2, p0  }
0x20: {  	[sflag:s8] =	ssyncset.s32 @!p0 $0xFFFFF086;
	s6 =	sadd.s32 @!p0 s3, s7;
	s7 =	simm.s32 @!p0 $0x108  }
0x21: {  	s3 =	sadd.s32 s3, s9;
	s6 =	sadd.s32 @!p0 $0x88, s6;
	s7 =	simm.s32 @p2 $0x1082  }
0x22: {  	[simem:s7], [sflag:s8] =	dma.local @!p0 [hbm:s6], $0xF7A  }
0x23: {  	s9 =	sor.u32 $0xD0000000, s2;
	s6 =	simm.s32 $0x108;
	_ =	swait.ge @!p0 [sflag:s8], $0x0  }
0x24: {  	s3 =	sadd.s32 $0x88, s3;
	s6 =	simm.s32 @!p1 $0x1082;
	[sflag:s4] =	ssyncset.s32 $0xFFFFF086  }
0x25: {  	[simem:s6], [sflag:s4] =	dma.local [hbm:s3], $0xF7A  }
0x26: {  	[smem:$0x3F98] =	sst s1;
	(tag) =	ssettag s2;
	_ =	strace s9  }
0x27: {  	s1 =	sld [smem:$0x3FA8]  }
0x28: {  	s2 =	sld [smem:$0x3FA9]  }
0x29: {  	s4 =	sld [smem:$0x3FAB]  }
0x2a: {  	p0 =	seq.s32 s5, $0x0;
	s5 =	sld [smem:$0x3FAC]  }
0x2b: {  	s6 =	sld [smem:$0x3FAD]  }
0x2c: {  	s7 =	sld [smem:$0x3FAE]  }
0x2d: {  	s3 =	simm.s32 $0x108;
	s8 =	sld [smem:$0x3FAF]  }
0x2e: {  	s3 =	simm.s32 @!p0 $0x1082;
	s9 =	sld [smem:$0x3FB0]  }
0x2f: {  	lr =	sadd.s32 s0, s3;
	s0 =	sld [smem:$0x3FA7]  }
0x30: {  	s3 =	sld [smem:$0x3FAA]  }
0x31: {  	[smem:$0x3FB3] =	sst s10  }
0x32: {  	s10 =	sld [smem:$0x3FB1];
	_ =	sdelay $0x3  }
0x33: {  	p0 =	seq.s32 s10, $0x1;
	s10 =	sld [smem:$0x3FB3];
	_ =	sdelay $0x3  }
0x34: {  	[smem:$0x3FB3] =	sst s10  }
0x35: {  	s10 =	sld [smem:$0x3FB2];
	_ =	sdelay $0x3  }
0x36: {  	p1 =	seq.s32 s10, $0x1;
	s10 =	sld [smem:$0x3FB3];
	_ =	sdelay $0x3  }
0x37: {  	[smem:$0x3FB3] =	sst s10  }
0x38: {  	s10 =	sld [smem:$0x3FB4]  }
0x39: {  	_ = 	snop;
	(pc) =	sbr.ind lr, $3  }
0x3a: {  	_ = 	snop  }
0x3b: {  	_ = 	snop  }
0x3c: {  	p2 =	seq.s32 s10, $0x1;
	s10 =	sld [smem:$0x3FB3]  }
0x3d: {  	_ =	shalt  }
0x3e: {  	_ =	shalt  }
0x3f: {  	_ =	shalt  }
0x40: {  	_ =	shalt  }
0x41: {  	_ =	shalt  }
0x42: {  	_ =	shalt  }
0x43: {  	_ =	shalt  }
0x44: {  	_ =	shalt  }
0x45: {  	_ =	shalt  }
0x46: {  	_ =	shalt  }
0x47: {  	_ =	shalt  }
0x48: {  	_ =	shalt  }
0x49: {  	_ =	shalt  }
0x4a: {  	_ =	shalt  }
0x4b: {  	_ =	shalt  }
0x4c: {  	_ =	shalt  }
0x4d: {  	_ =	shalt  }
0x4e: {  	_ =	shalt  }
0x4f: {  	_ =	shalt  }
0x50: {  	_ =	shalt  }
0x51: {  	_ =	shalt  }
0x52: {  	_ =	shalt  }
0x53: {  	_ =	shalt  }
0x54: {  	_ =	shalt  }
0x55: {  	_ =	shalt  }
0x56: {  	_ =	shalt  }
0x57: {  	_ =	shalt  }
0x58: {  	_ =	shalt  }
0x59: {  	_ =	shalt  }
0x5a: {  	_ =	shalt  }
0x5b: {  	_ =	shalt  }
0x5c: {  	_ =	shalt  }
0x5d: {  	_ =	shalt  }
0x5e: {  	_ =	shalt  }
0x5f: {  	_ =	shalt  }
0x60: {  	_ =	shalt  }
0x61: {  	_ =	shalt  }
0x62: {  	_ =	shalt  }
0x63: {  	_ =	shalt  }
0x64: {  	_ =	shalt  }
0x65: {  	_ =	shalt  }
0x66: {  	_ =	shalt  }
0x67: {  	_ =	shalt  }
0x68: {  	_ =	shalt  }
0x69: {  	_ =	shalt  }
0x6a: {  	_ =	shalt  }
0x6b: {  	_ =	shalt  }
0x6c: {  	_ =	shalt  }
0x6d: {  	_ =	shalt  }
0x6e: {  	_ =	shalt  }
0x6f: {  	_ =	shalt  }
0x70: {  	_ =	shalt  }
0x71: {  	_ =	shalt  }
0x72: {  	_ =	shalt  }
0x73: {  	_ =	shalt  }
0x74: {  	_ =	shalt  }
0x75: {  	_ =	shalt  }
0x76: {  	_ =	shalt  }
0x77: {  	_ =	shalt  }
0x78: {  	_ =	shalt  }
0x79: {  	_ =	shalt  }
0x7a: {  	_ =	shalt  }
0x7b: {  	_ =	shalt  }
0x7c: {  	_ =	shalt  }
0x7d: {  	_ =	shalt  }
0x7e: {  	_ =	shalt  }
0x7f: {  	_ =	shalt  }
0x80: {  	_ =	shalt  }
0x81: {  	_ =	shalt  }
0x82: {  	_ =	shalt  }
0x83: {  	_ =	shalt  }
0x84: {  	_ =	shalt  }
0x85: {  	_ =	shalt  }
0x86: {  	_ =	shalt  }
0x87: {  	_ =	shalt  }
.Lfunc_end0:
.L_simem_size_0:
called_computation_lowered:
.L_overlay_start_0:
0x88: {  	s0 =	sld [smem:$0x3FD9]  }
0x89: {  	s1 =	sld [smem:$0x3FFE];
	_ =	sdelay $0x3  }
0x8a: {  	s0 =	sadd.s32 s1, s0  }
0x8b: {  	[smem:$0x3FBF] =	sst s0  }
0x8c: {  	_ = 	snop  }
0x8d: {  	(tm) =	ssettm $0x1  }
0x8e: {  	s15 =	sld [smem:$0x3FFB];
	_ =	sdelay $0x3  }
0x8f: {  	_ =	strace s15  }
0x90: {  	s0 =	sld [smem:$0x3FFC];
	_ =	sdelay $0x3  }
0x91: {  	_ =	strace s0  }
0x92: {  	s0 =	sld [smem:$0x3FFD];
	_ =	sdelay $0x3  }
0x93: {  	_ =	strace s0  }
0x94: {  	_ =	strace $0x8FFFFFFF  }
0x95: {  	s16 =	sld [smem:$0x3FDB];
	_ =	sdelay $0x1  }
0x96: {  	s17 =	simm.s32 $_scs_section_size  }
0x97: {  	s2 =	simm.s32 $_size__tile_overlayer_lowered;
	s3 =	simm.s32 $_tile_overlayer_lowered  }
0x98: {  	s20 =	simm.s32 $0x1BFF;
	s19 =	sshll.u32 s3, $0x1;
	s0 =	sadd.s32 s17, s16  }
0x99: {  	s4 =	simm.s32 $0x0;
	s18 =	sshll.u32 s2, $0x1;
	s2 =	sadd.s32 s19, s0  }
0x9a: {  	[timem:s4], [sflag:s20] =	dma.local [hbm:s2], s18  }
0x9b: {  	_ =	swait.ge [sflag:s20], s18  }
0x9c: {  	s1 =	ssub.s32 $0x0, s18;
	[sflag:s20] =	ssyncset.done $0x0  }
0x9d: {  	[sflag:s20] =	ssyncadd.s32 s1;
	_ =	sdelay $0x1  }
0x9e: {  	s21 =	simm.s32 $0x1B8B  }
0x9f: {  	_ =	swait.ge [sflag:s21], $0x1  }
0xa0: {  	[sflag:s21] =	ssyncset.done $0x0  }
0xa1: {  	s23 =	simm.s32 $0x1B8E;
	s22 =	sld [smem:$0x3FFE];
	[sflag:s21] =	ssyncadd.s32 $0xFFFFFFFF  }
0xa2: {  	s24 =	simm.s32 $execute0_lowered;
	[smem:$0x3FD2] =	sst s23  }
0xa3: {  	s2 =	sshll.u32 s24, $0x1;
	_ =	strace $0x80000046;
	[dreg:$0x1] =	wrdreg $0xFFFFFFFF  }
0xa4: {  	s25 =	simm.s32 $_size_execute0_lowered;
	s0 =	sadd.s32 s0, s2;
	[dreg:$0x0] =	wrdreg $0x0  }
0xa5: {  	s2 =	sshll.u32 s25, $0x1;
	[dreg:$0x2] =	wrdreg s0  }
0xa6: {  	[dreg:$0x3] =	wrdreg s2  }
0xa7: {  	[dreg:$0x4] =	wrdreg $0xC0  }
0xa8: {  	_ =	task [dreg:s4], $0x5FFFF  }
0xa9: {  	[dreg:$0x1] =	wrdreg $0xFFFFFFFF  }
0xaa: {  	[dreg:$0x0] =	wrdreg $0x60  }
0xab: {  	[dreg:$0x2] =	wrdreg s22  }
0xac: {  	[dreg:$0x3] =	wrdreg $0x9  }
0xad: {  	_ =	task.clear_ibuf [dreg:s4], $0x4FFFF;
	_ =	strace $0x90000046  }
0xae: {  	s26 =	simm.s32 $0x9;
	_ =	strace $0x80000048  }
0xaf: {  	_ =	swait.ge [sflag:s26], $0x1  }
0xb0: {  	[sflag:s26] =	ssyncadd.s32 $0xFFFFFFFF  }
0xb1: {  	_ =	strace $0x90000048  }
0xb2: {  	_ =	sfence  }
0xb3: {  	s28 =	sld [smem:$0x0];
	_ =	sdelay $0x1  }
0xb4: {  	s29 =	srdreg.scid  }
0xb5: {  	s30 =	sshll.u32 s29, $0xD;
	s31 =	sshrl.u32 s29, $0x2  }
0xb6: {  	s1 =	sand.u32 $0x1, s29;
	s2 =	sand.u32 $0x4000, s30;
	s0 =	sadd.s32 s31, s28  }
0xb7: {  	s1 =	sor.u32 s2, s1;
	s0 =	sshll.u32 s0, $0x11  }
0xb8: {  	s0 =	sor.u32 s0, s1  }
0xb9: {  	s0 =	sadd.s32 $0x8F2B, s0  }
0xba: {  	[sflag:s0] =	ssyncadd.remote.s32 $0x1  }
0xbb: {  	_ =	sfence.sel $0xFFFF  }
0xbc: {  	[dreg:$0x0] =	wrdreg $0xFFFFFFFF;
	(pc) =	sbr.abs _section_cstart, $3  }
0xbd: {  	[dreg:$0x1] =	wrdreg $0xFFFFFFFF  }
0xbe: {  	_ =	task.clear_ibuf [dreg:s4], $0x2FFFF;
	_ =	strace $0x9FFFFFFF  }
0xbf: {  	(tm) =	ssettm $0x7FFFFFFF  }
tec
execute0_lowered:
.L_overlay_start_1:
0x0: {  	(tag) =	ssettag $0x1  }
0x1: {  	s2 =	rddreg [dreg:$0x0]  }
0x2: {  	s0 =	rddreg [dreg:$0x1];
	_ =	strace $0x80000047;
	s5 =	stileid.u32  }
0x3: {  	s3 =	simm.s32 $0x3E;
	s1 =	sadd.s32 $0x80200, s2;
	p0 =	sne.s32 s5, $0x0  }
0x4: {  	[sflag:s3] =	ssyncpa.u1 $0x0;
	s4 =	simm.s32 @!p0 $0x1C3E;
	s6 =	simm.s32 @!p0 $0x0  }
0x5: {  	[spmem:s6], [sflag:s4] =	dma.local @!p0 [hbm:s1], $0x10080  }
0x6: {  	s4 =	simm.s32 @!p0 $0x3E  }
0x7: {  	_ =	swait.ge @!p0 [sflag:s4], $0x10080  }
0x8: {  	[sflag:s4] =	ssyncset.done @!p0 $0x0  }
.Ltmp0:
0x9: {  	s7 =	simm.s32 $0x2;
	[sflag:s4] =	ssyncadd.s32 @!p0 $0xFFFEFF80;
	(pc) =	sbr.rel .LBB2_1-.Ltmp0, $4  }
0xa: {  	s8 =	simm.s32 $0x0;
	s9 =	simm.s32 $0x0;
	[bflag:$0x0] =	sbarrier.arrive $0xFFFF  }
0xb: {  	s5 =	sshll.u32 s5, $0x12;
	[sflag:s3] =	ssyncpa.u1 $0x1;
	s3 =	simm.s32 $0x1  }
0xc: {  	s10 =	smov.u32 s5;
	s6 =	sadd.s32 $0x40000, s5;
	[sflag:s3] =	ssyncpa.u1 $0x0  }
0xd: {  	vm0 =	vmmov $0xffff;
	s4 =	sadd.s32 $0x90400, s2;
	(ifvalue) =	ssetifvalue $0x80400;
	[sflag:s7] =	ssyncpa.u1 $0x0  }
.LBB2_5:
0xe: {  	s9 =	sadd.s32 $0x1, s9  }
0xf: {  	p2 =	sne.s32 s9, $0x21  }
.Ltmp1:
0x10: {  	_ = 	snop;
	(pc) =	sbr.rel @!p2 .LBB2_6-.Ltmp1, $4  }
0x11: {  	_ = 	snop  }
0x12: {  	s11 =	sadd.s32 $0x2000, s10  }
0x13: {  	s10 =	smov.u32 s5;
	p1 =	slt.s32 s11, s6  }
0x14: {  	s10 =	smov.u32 @p1 s11  }
.LBB2_1:
0x15: {  	p1 =	seq.s32 s9, $0x20  }
0x16: {  	s11 =	sshll.u32 @!p1 s9, $0xD;
	p2 =	seq.s32 @!p1 s9, $0x0  }
0x17: {  	s11 =	sand.u32 @!p1 $0x2000, s11;
	p2 =	por p1, !p2  }
.Ltmp2:
0x18: {  	s13 =	sshrl.u32 @!p1 s10, $0x3;
	s12 =	sxor.u32 @!p1 $0x2000, s11;
	(pc) =	sbr.rel @!p2 .LBB2_5-.Ltmp2, $4  }
0x19: {  	s16 =	sand.u32 @!p1 $0x7, s10;
	s14 =	sadd.s32 @!p1 s2, s13;
	s15 =	sor.u32 @!p1 $0x8040, s12  }
0x1a: {  	[tilespmem:s15], [sflag:$0x2] =	stream.linear.gather @!p1 [hbm4b:s14+s16], $0x2000, $0x38;
	[tilespmem:$0x10040] =	vst v63  }
0x1b: {  	s13 =	sadd.s32 @!p1 s4, s13;
	s12 =	sor.u32 @!p1 $0xC040, s12  }
0x1c: {  	[tilespmem:s12], [sflag:$0x2] =	stream.linear.gather @!p1 [hbm4b:s13+s16], $0x2000, $0x38;
	[tilespmem:$0x10040] =	vst v63  }
0x1d: {  	_ =	swait.ge [sflag:s7], $0x4000  }
0x1e: {  	s11 =	simm.s32 @p1 $0x0;
	[sflag:s7] =	ssyncset.done $0x0  }
0x1f: {  	s13 =	sadd.s32 $0x8040, s11;
	[sflag:s7] =	ssyncadd.s32 $0xFFFFC000  }
0x20: {  	v0 =	vld.msk [tilespmem:s13+$0x0 ss:$0x1], $0xffff;
	_ =	sdelay $0x4  }
0x21: {  	v0 =	vmin.u32 v0, $0x80400;
	_ =	sdelay $0x3  }
0x22: {  	s12 =	simm.s32 $0x0;
	s11 =	sadd.s32 $0xC040, s11;
	s13 =	sadd.s32 $0x10, s13  }
0x23: {  	[spmem:s8] =	stream.indirect_vreg.scatter.add.s32 [tilespmem:s11], [sflag:$0x1], $0x1, v0, vm0, $0x4038;
	[tilespmem:$0x10040] =	vst v63  }
.LBB2_3:
0x24: {  	v0 =	vld.msk [tilespmem:s13+$0x0 ss:$0x1], $0xffff;
	s12 =	sadd.s32 $0x10, s12  }
0x25: {  	p1 =	slt.u32 s12, $0x1FF0;
	_ =	sdelay $0x4  }
0x26: {  	v0 =	vmin.u32 v0, $0x80400  }
.Ltmp3:
0x27: {  	(pc) =	sbr.rel @p1 .LBB2_3-.Ltmp3, $3  }
0x28: {  	_ =	sdelay $0x1  }
0x29: {  	s13 =	sadd.s32 $0x10, s13;
	s11 =	sadd.s32 $0x10, s11  }
0x2a: {  	[spmem:s8] =	stream.indirect_vreg.scatter.add.s32 [tilespmem:s11], [sflag:$0x1], $0x1, v0, vm0, $0x4038;
	[tilespmem:$0x10040] =	vst v63  }
.Ltmp4:
0x2b: {  	(pc) =	sbr.rel .LBB2_5-.Ltmp4, $4  }
0x2c: {  	_ = 	snop  }
0x2d: {  	_ =	swait.ge [sflag:s3], $0x2000  }
0x2e: {  	[sflag:s3] =	ssyncset.done $0x0  }
0x2f: {  	[sflag:s3] =	ssyncadd.s32 $0xFFFFE000  }
.LBB2_6:
0x30: {  	_ =	sfence.sel $0x180000  }
0x31: {  	s2 =	simm.s32 $0x2;
	[bflag:$0x0] =	sbarrier.arrive $0xFFFF  }
0x32: {  	s30 =	simm.s32 $0x1;
	[sflag:s2] =	ssyncpa.u1 $0x1  }
0x33: {  	[sflag:s30] =	ssyncpa.u1 $0x1  }
0x34: {  	_ =	sfence.stream.spmem  }
0x35: {  	s31 =	simm.s32 $0x3D;
	[bflag:$0x0] =	sbarrier.arrive $0xFFFF  }
0x36: {  	s2 =	simm.s32 @p0 $0x3D;
	[sflag:s31] =	ssyncpa.u1 $0x0  }
0x37: {  	[sflag:s2] =	ssyncpa.u1 @p0 $0x1  }
0x38: {  	[bflag:$0x0] =	sbarrier.arrive @p0 $0xFFFF  }
0x39: {  	_ =	strace @p0 $0x90000047  }
0x3a: {  	s3 =	simm.s32 @!p0 $0x1C3D;
	s2 =	simm.s32 @!p0 $0x0;
	[bflag:$0x2] =	sbarrier.arrive @p0 $0xFFFF  }
0x3b: {  	[hbm:s1], [sflag:s3] =	dma.local @!p0 [spmem:s2], $0x10080  }
0x3c: {  	s1 =	simm.s32 @!p0 $0x3D  }
0x3d: {  	_ =	swait.ge @!p0 [sflag:s1], $0x10080  }
0x3e: {  	[sflag:s1] =	ssyncset.done @!p0 $0x0  }
0x3f: {  	[sflag:s1] =	ssyncadd.s32 @!p0 $0xFFFEFF80  }
0x40: {  	[sflag:s1] =	ssyncpa.u1 @!p0 $0x1  }
0x41: {  	[bflag:$0x0] =	sbarrier.arrive @!p0 $0xFFFF  }
0x42: {  	_ =	strace @!p0 $0x90000047  }
0x43: {  	s0 =	sadd.s32 @!p0 $0x100000, s0;
	[bflag:$0x2] =	sbarrier.arrive @!p0 $0xFFFF  }
0x44: {  	[sflag:s0] =	ssyncadd.tile.s32 @!p0 $0x1;
	_ =	shalt  }
.Lfunc_end2:
_tile_overlayer_lowered:
.L_overlay_start_2:
0x45: {  	(tag) =	ssettag $0x2  }
0x46: {  	s0 =	rddreg [dreg:$0x0];
	s2 =	stileid.u32  }
0x47: {  	s1 =	rddreg [dreg:$0x1];
	p0 =	sne.s32 s2, $0x0  }
0x48: {  	s3 =	rddreg [dreg:$0x2];
	[bflag:$0x3] =	sbarrier.arrive $0xFFFF;
	s2 =	simm.s32 @!p0 $0x1C01  }
0x49: {  	[timem:s3], [sflag:s2] =	dma.local @!p0 [hbm:s0], s1  }
0x4a: {  	s0 =	simm.s32 @!p0 $0x1  }
0x4b: {  	_ =	swait.ge @!p0 [sflag:s0], s1  }
0x4c: {  	s1 =	ssub.s32 @!p0 $0x0, s1;
	[sflag:s0] =	ssyncset.done @!p0 $0x0  }
0x4d: {  	[sflag:s0] =	ssyncadd.s32 @!p0 s1  }
0x4e: {  	[bflag:$0x3] =	sbarrier.arrive $0xFFFF  }
0x4f: {  	_ =	shalt  }

// kernel: sparse-core-data-format-call.cloned.1.call-start
scs
called_computation.1_lowered:
.L_overlay_start_0:
0x0: {  	s2 =	sld [smem:$0x3FD9]  }
0x1: {  	s3 =	sld [smem:$0x3FFE];
	_ =	sdelay $0x1  }
0x2: {  	s1 =	srdreg.scid  }
0x3: {  	s0 =	sand.u32 $0x1, s1  }
0x4: {  	s15 =	sshll.u32 s0, $0xA;
	s2 =	sadd.s32 s3, s2  }
0x5: {  	s2 =	sadd.s32 s2, s15  }
0x6: {  	[smem:$0x3FBF] =	sst s2  }
0x7: {  	_ = 	snop  }
0x8: {  	s2 =	sld [smem:$0x3FD0];
	_ =	sdelay $0x2  }
0x9: {  	s16 =	simm.s32 $0xA;
	s4 =	simm.s32 $0x10  }
0xa: {  	[smem:s4], [sflag:s16] =	dma.local [hbm:s2], $0x1  }
0xb: {  	_ =	swait.eq [sflag:s16], $0x1  }
0xc: {  	[sflag:s16] =	ssyncset.done $0x0  }
0xd: {  	[sflag:s16] =	ssyncadd.s32 $0xFFFFFFFF  }
0xe: {  	s17 =	sld [smem:$0x10];
	(tm) =	ssettm $0x1  }
0xf: {  	s18 =	sld [smem:$0x3FFB];
	_ =	sdelay $0x3  }
0x10: {  	_ =	strace s18  }
0x11: {  	s3 =	sld [smem:$0x3FFC];
	_ =	sdelay $0x3  }
0x12: {  	_ =	strace s3  }
0x13: {  	s3 =	sld [smem:$0x3FFD];
	_ =	sdelay $0x3  }
0x14: {  	_ =	strace s3  }
0x15: {  	_ =	strace $0x8FFFFFFF  }
0x16: {  	s19 =	sld [smem:$0x3FDB];
	_ =	sdelay $0x1  }
0x17: {  	s20 =	simm.s32 $_scs_section_size  }
0x18: {  	s5 =	simm.s32 $_size__tile_overlayer_lowered;
	s6 =	simm.s32 $_tile_overlayer_lowered  }
0x19: {  	s23 =	simm.s32 $0x1BFF;
	s22 =	sshll.u32 s6, $0x1;
	s3 =	sadd.s32 s20, s19  }
0x1a: {  	s7 =	simm.s32 $0x0;
	s21 =	sshll.u32 s5, $0x1;
	s5 =	sadd.s32 s22, s3  }
0x1b: {  	[timem:s7], [sflag:s23] =	dma.local [hbm:s5], s21  }
0x1c: {  	_ =	swait.ge [sflag:s23], s21  }
0x1d: {  	s4 =	ssub.s32 $0x0, s21;
	[sflag:s23] =	ssyncset.done $0x0  }
0x1e: {  	[sflag:s23] =	ssyncadd.s32 s4;
	_ =	sdelay $0x1  }
0x1f: {  	s24 =	simm.s32 $0x1B8B  }
0x20: {  	_ =	swait.ge [sflag:s24], $0x1  }
0x21: {  	[sflag:s24] =	ssyncset.done $0x0  }
0x22: {  	s26 =	simm.s32 $0x1B8E;
	s25 =	sld [smem:$0x3FFE];
	[sflag:s24] =	ssyncadd.s32 $0xFFFFFFFF  }
0x23: {  	s27 =	simm.s32 $execute0_lowered;
	[smem:$0x3FD2] =	sst s26  }
0x24: {  	s5 =	sshll.u32 s27, $0x1;
	_ =	strace $0x8000004C;
	[dreg:$0x1] =	wrdreg $0xFFFFFFFF  }
0x25: {  	s28 =	simm.s32 $_size_execute0_lowered;
	s3 =	sadd.s32 s3, s5;
	[dreg:$0x0] =	wrdreg $0x0  }
0x26: {  	s5 =	sshll.u32 s28, $0x1;
	[dreg:$0x2] =	wrdreg s3  }
0x27: {  	[dreg:$0x3] =	wrdreg s5  }
0x28: {  	[dreg:$0x4] =	wrdreg $0xC0  }
0x29: {  	_ =	task [dreg:s7], $0x5FFFF  }
0x2a: {  	[dreg:$0x1] =	wrdreg $0xFFFFFFFF  }
0x2b: {  	[dreg:$0x0] =	wrdreg $0x60  }
0x2c: {  	[dreg:$0x2] =	wrdreg s25  }
0x2d: {  	[dreg:$0x3] =	wrdreg s17  }
0x2e: {  	[dreg:$0x4] =	wrdreg $0x9  }
0x2f: {  	_ =	task.clear_ibuf [dreg:s7], $0x5FFFF;
	_ =	strace $0x9000004C  }
0x30: {  	s29 =	simm.s32 $0x9;
	_ =	strace $0x8000004E  }
0x31: {  	_ =	swait.ge [sflag:s29], $0x1  }
0x32: {  	[sflag:s29] =	ssyncadd.s32 $0xFFFFFFFF  }
0x33: {  	_ =	strace $0x9000004E  }
0x34: {  	_ =	sfence  }
0x35: {  	s30 =	sld [smem:$0x0];
	_ =	sdelay $0x2  }
0x36: {  	s31 =	sshll.u32 s1, $0xD;
	s1 =	sshrl.u32 s1, $0x2  }
0x37: {  	s3 =	sand.u32 $0x4000, s31;
	s1 =	sadd.s32 s1, s30  }
0x38: {  	s0 =	sor.u32 s3, s0;
	s1 =	sshll.u32 s1, $0x11  }
0x39: {  	s0 =	sor.u32 s1, s0  }
0x3a: {  	s0 =	sadd.s32 $0x8F2B, s0  }
0x3b: {  	[sflag:s0] =	ssyncadd.remote.s32 $0x1  }
0x3c: {  	_ =	sfence.sel $0xFFFF  }
0x3d: {  	[dreg:$0x0] =	wrdreg $0xFFFFFFFF;
	(pc) =	sbr.abs _section_cstart, $3  }
0x3e: {  	[dreg:$0x1] =	wrdreg $0xFFFFFFFF  }
0x3f: {  	_ =	task.clear_ibuf [dreg:s7], $0x2FFFF;
	_ =	strace $0x9FFFFFFF  }
0x40: {  	(tm) =	ssettm $0x7FFFFFFF  }
0x41: {  	_ =	shalt  }
tec
execute0_lowered:
.L_overlay_start_1:
0x0: {  	(tag) =	ssettag $0x1  }
0x1: {  	s0 =	srdreg.scid  }
0x2: {  	s4 =	rddreg [dreg:$0x0];
	s1 =	sshll.u32 s0, $0x4  }
0x3: {  	s3 =	rddreg [dreg:$0x1];
	s0 =	stileid.u32;
	s1 =	sand.u32 $0x10, s1  }
0x4: {  	s31 =	simm.s32 $0x2;
	s13 =	simm.s32 $0x0;
	s1 =	sor.u32 s0, s1  }
0x5: {  	s8 =	simm.s32 $0x20000;
	s15 =	simm.s32 $0x0;
	s2 =	sshll.u32 s1, $0x7  }
0x6: {  	s14 =	simm.s32 $0x0;
	s9 =	simm.s32 $0x0;
	s5 =	ssub.s32 $0x4000, s2  }
0x7: {  	s10 =	simm.s32 $0x0;
	s12 =	simm.s32 $0x0;
	s6 =	sand.u32 $0xF80, s5  }
.Ltmp0:
0x8: {  	p0 =	sne.s32 s6, $0x0;
	s6 =	simm.s32 $0x1;
	(pc) =	sbr.rel .LBB1_1-.Ltmp0, $4  }
0x9: {  	s1 =	rddreg [dreg:$0x2];
	s7 =	sshrl.u32 s5, $0xC;
	s6 =	simm.s32 @!p0 $0x0  }
0xa: {  	_ =	strace $0x8000004D;
	s5 =	simm.s32 $0x1;
	s6 =	sadd.s32 s6, s7  }
0xb: {  	s4 =	sadd.s32 $0x280200, s4;
	[sflag:s5] =	ssyncpa.u1 $0x0;
	s6 =	sshll.u32 s6, $0x2  }
0xc: {  	s11 =	smov.u32 s2;
	[sflag:s31] =	ssyncpa.u1 $0x0;
	s7 =	sor.u32 $0x1, s6  }
.LBB1_7:
0xd: {  	s16 =	sadd.s32 $0x8, s9  }
0xe: {  	s13 =	sadd.s32 $0x10, s10;
	s17 =	smov.u32 s10;
	p1 =	sgt.s32 s16, $0x1F  }
0xf: {  	s17 =	smov.u32 @p1 s13  }
0x10: {  	s19 =	smov.u32 s11;
	s13 =	sadd.s32 $0x1000, s11;
	p2 =	sgt.s32 s17, $0xF  }
0x11: {  	s19 =	smov.u32 @p2 s13  }
0x12: {  	s16 =	simm.s32 @p1 $0x0;
	p1 =	sgt.s32 s19, $0x3FFF  }
0x13: {  	p0 =	slt.u32 s12, $0x2;
	s19 =	smov.u32 @p1 s2;
	p1 =	sne.s32 s12, s7  }
.Ltmp1:
0x14: {  	s18 =	simm.s32 @!p0 $0x2;
	(pc) =	sbr.rel @!p1 .LBB1_8-.Ltmp1, $4  }
0x15: {  	s15 =	smov.u32 s10;
	_ =	swait.ge @!p0 [sflag:s18], $0x4000  }
0x16: {  	s14 =	smov.u32 s11;
	[sflag:s18] =	ssyncset.done @!p0 $0x0;
	s17 =	simm.s32 @p2 $0x0  }
0x17: {  	s13 =	smov.u32 s9;
	[sflag:s18] =	ssyncadd.s32 @!p0 $0xFFFFC000;
	s9 =	smov.u32 s16  }
0x18: {  	s10 =	smov.u32 s17;
	s12 =	sadd.s32 $0x1, s12;
	s11 =	smov.u32 s19  }
.LBB1_1:
0x19: {  	p0 =	sge.u32 s12, s6  }
0x1a: {  	s16 =	sshll.u32 @!p0 s10, $0x7;
	s17 =	sshll.u32 @!p0 s9, $0x3  }
0x1b: {  	s31 =	sadd.s32 $0xFFFFFFFF, s12;
	s18 =	sand.u32 @!p0 $0x400, s16;
	s17 =	sand.u32 @!p0 $0x400, s17  }
0x1c: {  	s19 =	sxor.u32 @!p0 $0xFFFFFFFF, s12;
	s16 =	sand.u32 @!p0 $0x380, s16;
	s17 =	sadd.s32 @!p0 s18, s17  }
0x1d: {  	s18 =	sshrl.u32 @!p0 s9, $0x3;
	s16 =	sor.u32 @!p0 s16, s17;
	s17 =	sshll.u32 @!p0 s11, $0x8  }
0x1e: {  	s19 =	sshll.u32 @!p0 s19, $0xE;
	s18 =	sand.u32 @!p0 $0xF, s18;
	s17 =	sadd.s32 @!p0 s4, s17  }
0x1f: {  	s16 =	sshrl.u32 @!p0 s16, $0x3;
	s17 =	sadd.s32 @!p0 s18, s17;
	s18 =	sand.u32 @!p0 $0x7, s9  }
0x20: {  	s19 =	sand.u32 @!p0 $0x4000, s19;
	s16 =	sand.u32 @!p0 $0xF0, s16;
	s18 =	sshll.u32 @!p0 s18, $0x12  }
0x21: {  	s16 =	sadd.s32 @!p0 s16, s17;
	s17 =	sor.u32 @!p0 $0x8, s18;
	s18 =	simm.s32 @!p0 $0x80  }
0x22: {  	[tilespmem:s19], [sflag:$0x1] =	stream.strided.gather @!p0 [hbm4b:s16+s17], $0x4000, s18, s17, $0x38;
	[tilespmem:$0x10100] =	vst v63  }
0x23: {  	p0 =	sge.u32 s31, s6  }
.Ltmp2:
0x24: {  	_ = 	snop;
	(pc) =	sbr.rel @p0 .LBB1_7-.Ltmp2, $1  }
0x25: {  	_ =	sdelay $0x3  }
0x26: {  	s16 =	sand.u32 $0x1, s12  }
0x27: {  	_ =	swait.ge [sflag:s5], $0x4000;
	s17 =	smul.u32 $0x10200, s16  }
0x28: {  	[sflag:s5] =	ssyncset.done $0x0  }
0x29: {  	[sflag:s5] =	ssyncadd.s32 $0xFFFFC000;
	s18 =	sshrl.u32 s17, $0x2  }
0x2a: {  	s17 =	sshll.u32 s16, $0xE;
	s16 =	sor.u32 $0x8000, s18;
	s18 =	simm.s32 $0x0  }
.LBB1_3:
0x2b: {  	s19 =	sshll.u32 s18, $0x7  }
0x2c: {  	s19 =	sand.u32 $0x3FFFFF80, s19  }
0x2d: {  	s19 =	sadd.s32 s19, s17  }
0x2e: {  	v0 =	vmov s19;
	_ =	sdelay $0x1  }
0x2f: {  	p0 =	por $0x1, $0x1;
	s19 =	simm.s32 $0x0  }
.LBB1_4:
0x30: {  	s20 =	sshll.u32 s19, $0x3  }
0x31: {  	s20 =	sand.u32 $0x3FFFFFF8, s20  }
0x32: {  	s31 =	smul.u32 $0x204, s19;
	v1 =	vld.idx.msk [tilespmem:v0+s20+$0x0 ss:$0x1], $0xff;
	_ =	sdelay $0x1  }
0x33: {  	s19 =	sshra.s32 s31, $0x2  }
0x34: {  	s19 =	sadd.s32 s19, s16  }
0x35: {  	s19 =	sadd.s32 s18, s19  }
0x36: {  	[tilespmem:s19+$0x0 ss:$0x810] =	vst.msk $0xff, v1  }
0x37: {  	v1 =	vld.idx.msk [tilespmem:v0+s20+$0x8 ss:$0x1], $0xff;
	_ =	sdelay $0x4  }
0x38: {  	[tilespmem:s19+$0x81 ss:$0x810] =	vst.msk $0xff, v1  }
0x39: {  	v1 =	vld.idx.msk [tilespmem:v0+s20+$0x10 ss:$0x1], $0xff;
	_ =	sdelay $0x4  }
0x3a: {  	[tilespmem:s19+$0x102 ss:$0x810] =	vst.msk $0xff, v1  }
0x3b: {  	v1 =	vld.idx.msk [tilespmem:v0+s20+$0x18 ss:$0x1], $0xff;
	_ =	sdelay $0x4  }
0x3c: {  	[tilespmem:s19+$0x183 ss:$0x810] =	vst.msk $0xff, v1  }
0x3d: {  	v1 =	vld.idx.msk [tilespmem:v0+s20+$0x20 ss:$0x1], $0xff;
	_ =	sdelay $0x4  }
0x3e: {  	[tilespmem:s19+$0x204 ss:$0x810] =	vst.msk $0xff, v1  }
0x3f: {  	v1 =	vld.idx.msk [tilespmem:v0+s20+$0x28 ss:$0x1], $0xff;
	_ =	sdelay $0x4  }
0x40: {  	[tilespmem:s19+$0x285 ss:$0x810] =	vst.msk $0xff, v1  }
0x41: {  	v1 =	vld.idx.msk [tilespmem:v0+s20+$0x30 ss:$0x1], $0xff;
	_ =	sdelay $0x4  }
0x42: {  	[tilespmem:s19+$0x306 ss:$0x810] =	vst.msk $0xff, v1  }
0x43: {  	p1 =	por p0, p0;
	v1 =	vld.idx.msk [tilespmem:v0+s20+$0x38 ss:$0x1], $0xff  }
.Ltmp3:
0x44: {  	_ = 	snop;
	(pc) =	sbr.rel @p1 .LBB1_4-.Ltmp3, $2  }
0x45: {  	_ =	sdelay $0x2  }
0x46: {  	p0 =	por $0x0, $0x0;
	[tilespmem:s19+$0x387 ss:$0x810] =	vst.msk $0xff, v1;
	s19 =	simm.s32 $0x8  }
0x47: {  	s18 =	sadd.s32 $0x1, s18  }
0x48: {  	p0 =	sne.s32 s18, $0x80  }
.Ltmp4:
0x49: {  	_ = 	snop;
	(pc) =	sbr.rel @p0 .LBB1_3-.Ltmp4, $1  }
0x4a: {  	_ =	sdelay $0x3  }
0x4b: {  	s17 =	sshll.u32 s15, $0xE;
	s18 =	sand.u32 $0x78, s14  }
0x4c: {  	s19 =	sshll.u32 s14, $0x3;
	s30 =	sshll.u32 s15, $0x7;
	s13 =	sshll.u32 s13, $0xF  }
0x4d: {  	s31 =	sand.u32 $0x7, s14;
	s17 =	sand.u32 $0x20000, s17;
	s20 =	sand.u32 $0x3FC00, s19  }
0x4e: {  	s19 =	sand.u32 $0x3C00, s19;
	s15 =	sand.u32 $0x380, s30;
	s17 =	sadd.s32 s20, s17  }
.Ltmp5:
0x4f: {  	s18 =	sor.u32 s18, s19;
	s17 =	sshrl.u32 s17, $0x3;
	(pc) =	sbr.rel .LBB1_7-.Ltmp5, $4  }
0x50: {  	s13 =	sadd.s32 s3, s13;
	s15 =	sor.u32 s15, s18;
	s17 =	sand.u32 $0x7800, s17  }
0x51: {  	s14 =	sshll.u32 s31, $0x12;
	s15 =	sshrl.u32 s15, $0x3;
	s13 =	sadd.s32 s17, s13  }
0x52: {  	s14 =	sor.u32 $0x400, s14;
	s13 =	sadd.s32 s15, s13  }
0x53: {  	[hbm4b:s13+s14] =	stream.strided.scatter [tilespmem:s16], [sflag:$0x2], $0x4000, s8, s14, $0x20;
	[tilespmem:$0x10100] =	vst v63  }
.LBB1_8:
0x54: {  	_ =	sfence.sel $0x180000  }
0x55: {  	s2 =	simm.s32 $0x1;
	[bflag:$0x0] =	sbarrier.arrive $0xFFFF  }
0x56: {  	s31 =	simm.s32 $0x2;
	[sflag:s2] =	ssyncpa.u1 $0x1  }
0x57: {  	[sflag:s31] =	ssyncpa.u1 $0x1  }
0x58: {  	p0 =	sne.s32 s0, $0x0;
	_ =	strace $0x9000004D  }
0x59: {  	s0 =	sadd.s32 @!p0 $0x100000, s1;
	[bflag:$0x2] =	sbarrier.arrive $0xFFFF  }
0x5a: {  	[sflag:s0] =	ssyncadd.tile.s32 @!p0 $0x1;
	_ =	shalt  }
.Lfunc_end1:
_tile_overlayer_lowered:
.L_overlay_start_2:
0x5b: {  	(tag) =	ssettag $0x2  }
0x5c: {  	s0 =	rddreg [dreg:$0x0];
	s2 =	stileid.u32  }
0x5d: {  	s1 =	rddreg [dreg:$0x1];
	p0 =	sne.s32 s2, $0x0  }
0x5e: {  	s3 =	rddreg [dreg:$0x2];
	[bflag:$0x3] =	sbarrier.arrive $0xFFFF;
	s2 =	simm.s32 @!p0 $0x1C01  }
0x5f: {  	[timem:s3], [sflag:s2] =	dma.local @!p0 [hbm:s0], s1  }
0x60: {  	s0 =	simm.s32 @!p0 $0x1  }
0x61: {  	_ =	swait.ge @!p0 [sflag:s0], s1  }
0x62: {  	s1 =	ssub.s32 @!p0 $0x0, s1;
	[sflag:s0] =	ssyncset.done @!p0 $0x0  }
0x63: {  	[sflag:s0] =	ssyncadd.s32 @!p0 s1  }
0x64: {  	[bflag:$0x3] =	sbarrier.arrive $0xFFFF  }
0x65: {  	_ =	shalt  }

</sc_bundles>
